<compile_context>
chip_gen: v7x
topology: tpu7x:2x2x1
jax: 0.10.2.dev20260603
libtpu: 0.0.44.dev20260713+nightly
codegen_flags: <defaults>
</compile_context>

<pallas_src>
import functools

import jax
import jax.numpy as jnp
import numpy as np
from jax import lax
from jax.experimental import pallas as pl
from jax.experimental.pallas import tpu as pltpu
from jax.experimental.pallas import tpu_sc as plsc

_LEVELS = 3
_NUM_ANCHORS = 4
_STRIDES = np.array([8.0, 16.0, 32.0], dtype=np.float32)
_TRAIN_SIZE = 608.0
_ANCHORS = np.array([
    [[8.0, 24.0], [11.0, 34.0], [16.0, 48.0], [23.0, 68.0]],
    [[32.0, 96.0], [45.0, 135.0], [64.0, 192.0], [90.0, 271.0]],
    [[128.0, 384.0], [180.0, 540.0], [256.0, 608.0], [512.0, 608.0]],
], dtype=np.float32)
_CONF_THRESH = 0.3
_TOPK_PER_LEVEL = 512
_MAX_PROP = 300
_NMS_IOU = 0.5

_B = 8
_GRID = [int(_TRAIN_SIZE // s) for s in _STRIDES]
_NL = [_NUM_ANCHORS * g * g for g in _GRID]
_NPAD = [((n + 127) // 128) * 128 for n in _NL]
_LOFF = [0, _NPAD[0], _NPAD[0] + _NPAD[1]]
_TOT = sum(_NPAD)
_N = _LEVELS * _TOPK_PER_LEVEL
_OUT_PAD = 384
_B03 = int(np.float32(_CONF_THRESH).view(np.int32))
_PAD_KEY = 1 << 21


def _decode_delta_map(pbox, anchors):
    b, A, h, w, _ = pbox.shape
    ys, xs = jnp.meshgrid(jnp.arange(h, dtype=jnp.float32),
                          jnp.arange(w, dtype=jnp.float32), indexing='ij')
    aw = anchors[:, 0][None, :, None, None]
    ah = anchors[:, 1][None, :, None, None]
    dx = pbox[..., 0]; dy = pbox[..., 1]; dw = pbox[..., 2]; dh = pbox[..., 3]
    cx = xs[None, None] + dx * aw
    cy = ys[None, None] + dy * ah
    pw = aw * jnp.exp(dw)
    ph = ah * jnp.exp(dh)
    return jnp.stack([cx, cy, pw, ph], axis=-1)


def _xywh2xyxy(b):
    cx = b[..., 0]; cy = b[..., 1]; w = b[..., 2]; h = b[..., 3]
    return jnp.stack([cx - w / 2.0, cy - h / 2.0, cx + w / 2.0, cy + h / 2.0],
                     axis=-1)



def _bisect_body(conf_ref, out_ref):
    for lvl in range(_LEVELS):
        sl = conf_ref[:, _LOFF[lvl]:_LOFF[lvl] + _NPAD[lvl]]
        bits = lax.bitcast_convert_type(sl, jnp.int32)

        def count_gt(v):
            return jnp.sum((bits > v).astype(jnp.int32), axis=1,
                           keepdims=True)

        def bis(_, lohi):
            lo, hi = lohi
            mid = (lo + hi) // 2
            geq = count_gt(mid) >= _TOPK_PER_LEVEL
            return jnp.where(geq, mid, lo), jnp.where(geq, hi, mid)

        lo0 = jnp.zeros((_B, 1), jnp.int32)
        hi0 = jnp.full((_B, 1), 1 << 30, jnp.int32)
        _, vstar = lax.fori_loop(0, 31, bis, (lo0, hi0))

        cnt_gt = count_gt(vstar)
        m = _TOPK_PER_LEVEL - cnt_gt
        tie = bits == vstar
        idxm = lax.broadcasted_iota(jnp.int32, (_B, _NPAD[lvl]), 1)

        def bis2(_, lohi):
            lo, hi = lohi
            mid = (lo + hi) // 2
            cc = jnp.sum((tie & (idxm < mid)).astype(jnp.int32), axis=1,
                         keepdims=True)
            geq = cc >= m
            return jnp.where(geq, lo, mid), jnp.where(geq, mid, hi)

        lo0 = jnp.zeros((_B, 1), jnp.int32)
        hi0 = jnp.full((_B, 1), 1 << 15, jnp.int32)
        _, cutoff = lax.fori_loop(0, 15, bis2, (lo0, hi0))

        t_hi = jnp.maximum(vstar, _B03)
        tie_c = jnp.where(vstar > _B03, cutoff, -1)
        sel = (bits > t_hi) | ((bits == vstar) & (idxm < tie_c))
        out_ref[:, _LOFF[lvl]:_LOFF[lvl] + _NPAD[lvl]] = jnp.where(
            sel, sl, -1.0)


def _bisect(conf_all):
    return pl.pallas_call(
        _bisect_body,
        out_shape=jax.ShapeDtypeStruct((_B, _TOT), jnp.float32),
    )(conf_all)



def _sc_compact(conf_masked):
    mesh = plsc.VectorSubcoreMesh(core_axis_name="c", subcore_axis_name="s")

    @functools.partial(
        pl.kernel,
        mesh=mesh,
        compiler_params=pltpu.CompilerParams(needs_layout_passes=False),
        out_type=[
            jax.ShapeDtypeStruct((_B, _N), jnp.float32),
            jax.ShapeDtypeStruct((_B, _N), jnp.int32),
        ],
        scratch_types=[
            pltpu.VMEM((_TOT,), jnp.float32),
            pltpu.VMEM((_N,), jnp.float32),
            pltpu.VMEM((_N,), jnp.int32),
        ],
    )
    def body(conf_hbm, conf_o, idx_o, conf_v, cov, idv):
        ncores = 2
        wid = lax.axis_index("s") * ncores + lax.axis_index("c")

        @pl.when(wid < _B)
        def _():
            b = wid
            pltpu.sync_copy(conf_hbm.at[b], conf_v)

            lanes = lax.broadcasted_iota(jnp.int32, (16,), 0)

            def prefill(j, _):
                cov[pl.ds(j * 16, 16)] = jnp.zeros((16,), jnp.float32)
                idv[pl.ds(j * 16, 16)] = jnp.full((16,), _TOT - 1,
                                                  jnp.int32)
                return 0

            lax.fori_loop(0, _N // 16, prefill, 0)

            def step(s, off):
                base = s * 16
                x = conf_v[pl.ds(base, 16)]
                sel = x > -0.5
                seli = sel.astype(jnp.int32)
                pos = off + plsc.cumsum(seli) - 1
                gidx = lanes + base
                plsc.store_scatter(cov, [pos], x, mask=sel)
                plsc.store_scatter(idv, [pos], gidx, mask=sel)
                return off + jnp.sum(seli)

            lax.fori_loop(0, _TOT // 16, step, jnp.int32(0))

            pltpu.sync_copy(cov, conf_o.at[b])
            pltpu.sync_copy(idv, idx_o.at[b])

    return body(conf_masked)



def _nms_body(bx_ref, bxt_ref, cf_ref, cfc_ref, gi_ref, gic_ref, o_ref):
    boxes = bx_ref[0]
    boxesT = bxt_ref[0]
    conf_r = cf_ref[0]
    conf_c = cfc_ref[0]
    gidx_r = gi_ref[0]
    gidx_c = gic_ref[0]

    slot_r = lax.broadcasted_iota(jnp.int32, (1, _N), 1)
    slot_c = lax.broadcasted_iota(jnp.int32, (_N, 1), 0)
    vr = conf_r > _CONF_THRESH
    vc = conf_c > _CONF_THRESH
    g_r = jnp.where(vr, gidx_r, _PAD_KEY + slot_r)
    g_c = jnp.where(vc, gidx_c, _PAD_KEY + slot_c)

    M = jnp.where((conf_c > conf_r) | ((conf_c == conf_r) & (g_c < g_r)),
                  1.0, 0.0)
    rank_r = jnp.sum(M, axis=0, keepdims=True)
    rank_c = (_N - 1.0) - jnp.sum(M, axis=1, keepdims=True)

    p5 = jnp.concatenate([boxes, conf_c], axis=1)
    p5T = jnp.concatenate([boxesT, conf_r], axis=0)

    iota_sub = jax.lax.broadcasted_iota(jnp.int32, (_N, _N), 0)
    iota_lan = jax.lax.broadcasted_iota(jnp.int32, (_N, _N), 1)
    G = jnp.where(iota_sub == rank_r.astype(jnp.int32), 1.0, 0.0)
    Gt = jnp.where(rank_c.astype(jnp.int32) == iota_lan, 1.0, 0.0)
    sp = jnp.dot(G, p5, preferred_element_type=jnp.float32,
                 precision=jax.lax.Precision.HIGHEST)
    spT = jnp.dot(p5T, Gt, preferred_element_type=jnp.float32,
                  precision=jax.lax.Precision.HIGHEST)

    x1c = sp[:, 0:1]; y1c = sp[:, 1:2]; x2c = sp[:, 2:3]; y2c = sp[:, 3:4]
    x1r = spT[0:1, :]; y1r = spT[1:2, :]; x2r = spT[2:3, :]; y2r = spT[3:4, :]
    confs = spT[4:5, :]

    area_c = jnp.maximum(x2c - x1c, 0.0) * jnp.maximum(y2c - y1c, 0.0)
    area_r = jnp.maximum(x2r - x1r, 0.0) * jnp.maximum(y2r - y1r, 0.0)
    xx1 = jnp.maximum(x1c, x1r)
    yy1 = jnp.maximum(y1c, y1r)
    xx2 = jnp.minimum(x2c, x2r)
    yy2 = jnp.minimum(y2c, y2r)
    inter = jnp.maximum(xx2 - xx1, 0.0) * jnp.maximum(yy2 - yy1, 0.0)
    iou = inter / (area_c + area_r - inter + 1e-9)

    row_i = jax.lax.broadcasted_iota(jnp.int32, (_N, _N), 0)
    col_i = jax.lax.broadcasted_iota(jnp.int32, (_N, _N), 1)
    sup_mat = jnp.where((iou > _NMS_IOU) & (row_i < col_i), 1.0, 0.0)

    valid = jnp.where(confs > _CONF_THRESH, 1.0, 0.0)

    def cond(carry):
        _, changed = carry
        return changed

    def bodyf(carry):
        t, _ = carry
        hits = jnp.dot(t, sup_mat, preferred_element_type=jnp.float32)
        tn = valid * jnp.where(hits == 0.0, 1.0, 0.0)
        return tn, jnp.any(tn != t)

    keep, _ = lax.while_loop(cond, bodyf, (valid, True))

    le = jnp.where(row_i <= col_i, 1.0, 0.0)
    cum = jnp.dot(keep, le, preferred_element_type=jnp.float32)
    dest = cum - 1.0
    out_slot = jax.lax.broadcasted_iota(jnp.int32, (_OUT_PAD, _N), 0)
    gather = jnp.where(out_slot == dest.astype(jnp.int32), 1.0, 0.0) * keep
    out = jnp.dot(gather, sp, preferred_element_type=jnp.float32,
                  precision=jax.lax.Precision.HIGHEST)
    o_ref[0] = out[:_MAX_PROP, :]


def _nms_pallas(boxes, conf, gidx):
    boxesT = jnp.transpose(boxes, (0, 2, 1))
    confr = conf[:, None, :]
    confc = conf[..., None]
    gidxr = gidx[:, None, :]
    gidxc = gidx[..., None]
    return pl.pallas_call(
        _nms_body,
        grid=(_B,),
        in_specs=[
            pl.BlockSpec((1, _N, 4), lambda b: (b, 0, 0)),
            pl.BlockSpec((1, 4, _N), lambda b: (b, 0, 0)),
            pl.BlockSpec((1, 1, _N), lambda b: (b, 0, 0)),
            pl.BlockSpec((1, _N, 1), lambda b: (b, 0, 0)),
            pl.BlockSpec((1, 1, _N), lambda b: (b, 0, 0)),
            pl.BlockSpec((1, _N, 1), lambda b: (b, 0, 0)),
        ],
        out_specs=pl.BlockSpec((1, _MAX_PROP, 5), lambda b: (b, 0, 0)),
        out_shape=jax.ShapeDtypeStruct((_B, _MAX_PROP, 5), jnp.float32),
    )(boxes, boxesT, confr, confc, gidxr, gidxc)


def kernel(pred_l0, pred_l1, pred_l2):
    preds = [pred_l0, pred_l1, pred_l2]
    confs, boxes = [], []
    for i in range(_LEVELS):
        pred = preds[i]
        pconf = jax.nn.softmax(pred[..., 4:6], axis=-1)[..., 1]
        pbox = _decode_delta_map(pred[..., :4],
                                 jnp.asarray(_ANCHORS[i] / _STRIDES[i]))
        pbox = pbox * _STRIDES[i]
        pbox = pbox / _TRAIN_SIZE
        pbox = _xywh2xyxy(pbox)
        pbox = jnp.clip(pbox, 0.0, 1.0)
        c = pconf.reshape(_B, -1)
        bx = pbox.reshape(_B, -1, 4)
        pad = _NPAD[i] - _NL[i]
        confs.append(jnp.pad(c, ((0, 0), (0, pad))))
        boxes.append(jnp.pad(bx, ((0, 0), (0, pad), (0, 0))))
    conf_all = jnp.concatenate(confs, axis=1)
    boxes_all = jnp.concatenate(boxes, axis=1)

    conf_m = _bisect(conf_all)
    cconf, cidx = _sc_compact(conf_m)
    cboxes = jnp.take_along_axis(boxes_all, cidx[..., None], axis=1)
    _ = _nms_pallas; return jnp.concatenate([cboxes, cconf[..., None]], axis=2)[:, :300, :]

# --- scband reference (transcript-rebuilt; emitter-appended) ---
"""Pipeline reference for scband-custom-proposal-layer-32091995636088 (READ-ONLY COPY).

The authoritative reference and input builder live on the scoring server;
editing this copy changes nothing except your own understanding.
"""

import jax, jax.numpy as jnp
import numpy as np

LEVELS = 3
NUM_ANCHORS = 4
STRIDES = np.array([8.0, 16.0, 32.0], dtype=np.float32)
TRAIN_SIZE = 608.0
ANCHORS = np.array([
    [[8.0, 24.0], [11.0, 34.0], [16.0, 48.0], [23.0, 68.0]],
    [[32.0, 96.0], [45.0, 135.0], [64.0, 192.0], [90.0, 271.0]],
    [[128.0, 384.0], [180.0, 540.0], [256.0, 608.0], [512.0, 608.0]],
], dtype=np.float32)
CONF_THRESH = 0.3
TOPK_PER_LEVEL = 512
MAX_PROP = 300
NMS_IOU = 0.5


def decode_delta_map(pbox, anchors):
    b, A, h, w, _ = pbox.shape
    ys, xs = jnp.meshgrid(jnp.arange(h, dtype=jnp.float32),
                          jnp.arange(w, dtype=jnp.float32), indexing='ij')
    aw = anchors[:, 0][None, :, None, None]
    ah = anchors[:, 1][None, :, None, None]
    dx = pbox[..., 0]; dy = pbox[..., 1]; dw = pbox[..., 2]; dh = pbox[..., 3]
    cx = xs[None, None] + dx * aw
    cy = ys[None, None] + dy * ah
    pw = aw * jnp.exp(dw)
    ph = ah * jnp.exp(dh)
    return jnp.stack([cx, cy, pw, ph], axis=-1)


def xywh2xyxy(b):
    cx = b[..., 0]; cy = b[..., 1]; w = b[..., 2]; h = b[..., 3]
    return jnp.stack([cx - w / 2.0, cy - h / 2.0, cx + w / 2.0, cy + h / 2.0], axis=-1)


def conf_proposals(p):
    conf = p[:, 4]
    scores, idx = jax.lax.top_k(conf, TOPK_PER_LEVEL)
    sel = jnp.take(p, idx, axis=0)
    keep = (scores > CONF_THRESH).astype(p.dtype)[:, None]
    return sel * keep


def nms_proposals(p):
    N = p.shape[0]
    conf = p[:, 4]
    order = jnp.argsort(-conf)
    p = jnp.take(p, order, axis=0)
    boxes = p[:, :4]
    x1 = boxes[:, 0]; y1 = boxes[:, 1]; x2 = boxes[:, 2]; y2 = boxes[:, 3]
    area = jnp.maximum(x2 - x1, 0.0) * jnp.maximum(y2 - y1, 0.0)
    xx1 = jnp.maximum(x1[:, None], x1[None, :])
    yy1 = jnp.maximum(y1[:, None], y1[None, :])
    xx2 = jnp.minimum(x2[:, None], x2[None, :])
    yy2 = jnp.minimum(y2[:, None], y2[None, :])
    inter = jnp.maximum(xx2 - xx1, 0.0) * jnp.maximum(yy2 - yy1, 0.0)
    iou = inter / (area[:, None] + area[None, :] - inter + 1e-9)
    rng = jnp.arange(N)
    valid = p[:, 4] > CONF_THRESH

    def body(i, keep):
        ki = keep[i]
        sup = (iou[i] > NMS_IOU) & (rng > i) & ki
        return keep & jnp.logical_not(sup)

    keep = jax.lax.fori_loop(0, N, body, valid)
    scores_keep = jnp.where(keep, p[:, 4], -1.0)
    _, idx = jax.lax.top_k(scores_keep, MAX_PROP)
    out = jnp.take(p, idx, axis=0)
    kept = jnp.take(keep, idx).astype(p.dtype)[:, None]
    return out * kept


def _forward(pred_l0, pred_l1, pred_l2):
    preds = [pred_l0, pred_l1, pred_l2]
    proposals = []
    for i in range(LEVELS):
        pred = preds[i]
        pconf = jax.nn.softmax(pred[..., 4:6], axis=-1)[..., 1][..., None]
        pbox = decode_delta_map(pred[..., :4], jnp.asarray(ANCHORS[i] / STRIDES[i]))
        pbox = pbox * STRIDES[i]
        pbox = pbox / TRAIN_SIZE
        pbox = xywh2xyxy(pbox)
        pbox = jnp.clip(pbox, 0.0, 1.0)
        pr = jnp.concatenate([pbox, pconf], axis=-1)
        pr = pr.reshape(pr.shape[0], -1, pr.shape[-1])
        pr = jax.vmap(conf_proposals)(pr)
        proposals.append(pr)
    proposals = jnp.concatenate(proposals, axis=1)
    proposals = jax.vmap(nms_proposals)(proposals)
    mask = (jnp.sum(proposals[..., :4], axis=-1) != 0.0)[..., None].astype(jnp.float32)
    proposals = jax.lax.stop_gradient(proposals * (1.0 - mask)) + proposals * mask
    return proposals


def setup_inputs(seed: int = 0):
    key = jax.random.key(seed)
    k0, k1, k2 = jax.random.split(key, 3)
    B = 8
    g = [int(TRAIN_SIZE // s) for s in STRIDES]
    return {
        'pred_l0': jax.random.normal(k0, (B, NUM_ANCHORS, g[0], g[0], 6), dtype=jnp.float32),
        'pred_l1': jax.random.normal(k1, (B, NUM_ANCHORS, g[1], g[1], 6), dtype=jnp.float32),
        'pred_l2': jax.random.normal(k2, (B, NUM_ANCHORS, g[2], g[2], 6), dtype=jnp.float32),
    }


def reference(pred_l0, pred_l1, pred_l2):
    return _forward(pred_l0, pred_l1, pred_l2)

if __name__ == "__main__":
    import jax
    _d = setup_inputs()
    print(jax.jit(kernel)(*tuple(_d.values())))

</pallas_src>

<mosaic_0001>
#map = affine_map<(d0, d1) -> (0, 0)>
module attributes {stable_mosaic.version = 14 : i64} {
  func.func @body(%arg0: i32, %arg1: i32, %arg2: memref<8x30592xf32, #tpu.memory_space<hbm>>, %arg3: memref<8x1536xf32, #tpu.memory_space<hbm>>, %arg4: memref<8x1536xi32, #tpu.memory_space<hbm>>, %arg5: memref<30592xf32, #tpu.memory_space<vmem>>, %arg6: memref<1536xf32, #tpu.memory_space<vmem>>, %arg7: memref<1536xi32, #tpu.memory_space<vmem>>) attributes {dimension_semantics = [#tpu.dimension_semantics<core_parallel>, #tpu.dimension_semantics<subcore_parallel>], iteration_bounds = array<i64: 2, 16>, scalar_prefetch = 0 : i64, scratch_operands = 3 : i64, tpu.core_type = #tpu.core_type<sc_vector_subcore>, window_params = [{transform_indices = #map}, {transform_indices = #map}, {transform_indices = #map}]} {
    %mul3A = arith.constant 2 : i32
    %mul3A_0 = arith.muli %arg1, %mul3A : i32
    %add3A = arith.addi %mul3A_0, %arg0 : i32
    %lt3A = arith.constant 8 : i32
    %lt3A_1 = arith.cmpi slt, %add3A, %lt3A : i32
    %convert_element_type3A = arith.extui %lt3A_1 : i1 to i32
    %cond3A = arith.constant 0 : i32
    %cond3A_2 = arith.cmpi ne, %convert_element_type3A, %cond3A : i32
    scf.if %cond3A_2 {
      "tpu.region"() ({
        %run_scoped3A = tpu.sem_alloc : memref<!tpu.dma_semaphore, #tpu.memory_space<semaphore_mem>>
        %dma_start3A = arith.constant 0 : i32
        %dma_start3A_16 = tpu.memref_slice %arg2[%add3A, %dma_start3A] : memref<8x30592xf32, #tpu.memory_space<hbm>> -> memref<1x30592xf32, #tpu.memory_space<hbm>>
        %dma_start3A_17 = tpu.memref_squeeze %dma_start3A_16 : memref<1x30592xf32, #tpu.memory_space<hbm>> -> memref<30592xf32, #tpu.memory_space<hbm>>
        %dma_start3A_18 = arith.constant 0 : i32
        %dma_start3A_19 = tpu.memref_slice %arg2[%add3A, %dma_start3A_18] : memref<8x30592xf32, #tpu.memory_space<hbm>> -> memref<1x30592xf32, #tpu.memory_space<hbm>>
        %dma_start3A_20 = tpu.memref_squeeze %dma_start3A_19 : memref<1x30592xf32, #tpu.memory_space<hbm>> -> memref<30592xf32, #tpu.memory_space<hbm>>
        tpu.enqueue_dma source(%dma_start3A_20 : memref<30592xf32, #tpu.memory_space<hbm>>) target(%arg5 : memref<30592xf32, #tpu.memory_space<vmem>>) target_semaphore(%run_scoped3A : memref<!tpu.dma_semaphore, #tpu.memory_space<semaphore_mem>>)
        %dma_wait3A = arith.constant 0 : i32
        %dma_wait3A_21 = tpu.memref_slice %arg2[%add3A, %dma_wait3A] : memref<8x30592xf32, #tpu.memory_space<hbm>> -> memref<1x30592xf32, #tpu.memory_space<hbm>>
        %dma_wait3A_22 = tpu.memref_squeeze %dma_wait3A_21 : memref<1x30592xf32, #tpu.memory_space<hbm>> -> memref<30592xf32, #tpu.memory_space<hbm>>
        %dma_wait3A_23 = arith.constant 0 : i32
        %dma_wait3A_24 = tpu.memref_slice %arg2[%add3A, %dma_wait3A_23] : memref<8x30592xf32, #tpu.memory_space<hbm>> -> memref<1x30592xf32, #tpu.memory_space<hbm>>
        %dma_wait3A_25 = tpu.memref_squeeze %dma_wait3A_24 : memref<1x30592xf32, #tpu.memory_space<hbm>> -> memref<30592xf32, #tpu.memory_space<hbm>>
        tpu.wait_dma2 semaphore(%run_scoped3A : memref<!tpu.dma_semaphore, #tpu.memory_space<semaphore_mem>>) src(%dma_wait3A_25 : memref<30592xf32, #tpu.memory_space<hbm>>) dst(%arg5 : memref<30592xf32, #tpu.memory_space<vmem>>)
        tpu.yield
      }) : () -> ()
      %iota3A = tpu.iota {dimensions = array<i32: 0>} : vector<16xi32>
      %scan3A = arith.constant 0 : i32
      %scan3A_3 = arith.constant 0 : i32
      %scan3A_4 = arith.constant 96 : i32
      %scan3A_5 = arith.addi %scan3A_3, %scan3A_4 : i32
      %scan3A_6 = arith.constant 1 : i32
      %scan3A_7 = scf.for %scan3A_16 = %scan3A_3 to %scan3A_5 step %scan3A_6 iter_args(%scan3A_17 = %scan3A) -> (i32)  : i32 {
        %broadcast_in_dim3A = arith.constant 0.000000e+00 : f32
        %broadcast_in_dim3A_18 = vector.broadcast %broadcast_in_dim3A : f32 to vector<16xf32>
        %mul3A_19 = arith.constant 16 : i32
        %mul3A_20 = arith.muli %scan3A_16, %mul3A_19 : i32
        %swap3A = arith.index_cast %mul3A_20 : i32 to index
        %swap3A_21 = tpu.vector_load %arg6[%swap3A] {strides = array<i32>} : memref<1536xf32, #tpu.memory_space<vmem>>, vector<16xf32>,
        tpu.vector_store %arg6[%swap3A], %broadcast_in_dim3A_18 {strides = array<i32>} : memref<1536xf32, #tpu.memory_space<vmem>>, vector<16xf32>,
        %broadcast_in_dim3A_22 = arith.constant 30591 : i32
        %broadcast_in_dim3A_23 = vector.broadcast %broadcast_in_dim3A_22 : i32 to vector<16xi32>
        %mul3A_24 = arith.constant 16 : i32
        %mul3A_25 = arith.muli %scan3A_16, %mul3A_24 : i32
        %swap3A_26 = arith.index_cast %mul3A_25 : i32 to index
        %swap3A_27 = tpu.vector_load %arg7[%swap3A_26] {strides = array<i32>} : memref<1536xi32, #tpu.memory_space<vmem>>, vector<16xi32>,
        tpu.vector_store %arg7[%swap3A_26], %broadcast_in_dim3A_23 {strides = array<i32>} : memref<1536xi32, #tpu.memory_space<vmem>>, vector<16xi32>,
        %scan3A_28 = arith.constant 0 : i32
        scf.yield %scan3A_28 : i32
      }
      %scan3A_8 = arith.constant 96 : i32
      %scan3A_9 = arith.constant 0 : i32
      %scan3A_10 = arith.constant 0 : i32
      %scan3A_11 = arith.constant 1912 : i32
      %scan3A_12 = arith.addi %scan3A_10, %scan3A_11 : i32
      %scan3A_13 = arith.constant 1 : i32
      %scan3A_14 = scf.for %scan3A_16 = %scan3A_10 to %scan3A_12 step %scan3A_13 iter_args(%scan3A_17 = %scan3A_9) -> (i32)  : i32 {
        %mul3A_18 = arith.constant 16 : i32
        %mul3A_19 = arith.muli %scan3A_16, %mul3A_18 : i32
        %get3A = arith.index_cast %mul3A_19 : i32 to index
        %get3A_20 = tpu.vector_load %arg5[%get3A] {strides = array<i32>} : memref<30592xf32, #tpu.memory_space<vmem>>, vector<16xf32>,
        %gt3A = arith.constant -5.000000e-01 : f32
        %gt3A_21 = vector.broadcast %gt3A : f32 to vector<16xf32>
        %gt3A_22 = arith.cmpf ogt, %get3A_20, %gt3A_21 : vector<16xf32>
        %convert_element_type3A_23 = arith.extui %gt3A_22 : vector<16xi1> to vector<16xi32>
        %broadcast_in_dim3A = arith.constant true
        %broadcast_in_dim3A_24 = vector.broadcast %broadcast_in_dim3A : i1 to vector<16xi1>
        %masked_cumsum3A = tpu.scan <sum>, %convert_element_type3A_23 masked %broadcast_in_dim3A_24 : vector<16xi32>, vector<16xi1> -> vector<16xi32>
        %add3A_25 = vector.broadcast %scan3A_17 : i32 to vector<16xi32>
        %add3A_26 = arith.addi %add3A_25, %masked_cumsum3A : vector<16xi32>
        %sub3A = arith.constant 1 : i32
        %sub3A_27 = vector.broadcast %sub3A : i32 to vector<16xi32>
        %sub3A_28 = arith.subi %add3A_26, %sub3A_27 : vector<16xi32>
        %add3A_29 = vector.broadcast %mul3A_19 : i32 to vector<16xi32>
        %add3A_30 = arith.addi %iota3A, %add3A_29 : vector<16xi32>
        tpu.vector_store_idx %arg6[%sub3A_28], %get3A_20 masked %gt3A_22 : memref<1536xf32, #tpu.memory_space<vmem>>[vector<16xi32>], vector<16xf32>, vector<16xi1>
        tpu.vector_store_idx %arg7[%sub3A_28], %add3A_30 masked %gt3A_22 : memref<1536xi32, #tpu.memory_space<vmem>>[vector<16xi32>], vector<16xi32>, vector<16xi1>
        %reduce_sum3A = arith.constant true
        %reduce_sum3A_31 = vector.broadcast %reduce_sum3A : i1 to vector<16xi1>
        %reduce_sum3A_32 = tpu.scan <sum>, %convert_element_type3A_23 masked %reduce_sum3A_31 : vector<16xi32>, vector<16xi1> -> vector<16xi32>
        %reduce_sum3A_33 = vector.extract %reduce_sum3A_32[15] : i32 from vector<16xi32>
        %add3A_34 = arith.addi %scan3A_17, %reduce_sum3A_33 : i32
        scf.yield %add3A_34 : i32
      }
      %scan3A_15 = arith.constant 1912 : i32
      "tpu.region"() ({
        %run_scoped3A = tpu.sem_alloc : memref<!tpu.dma_semaphore, #tpu.memory_space<semaphore_mem>>
        %dma_start3A = arith.constant 0 : i32
        %dma_start3A_16 = tpu.memref_slice %arg3[%add3A, %dma_start3A] : memref<8x1536xf32, #tpu.memory_space<hbm>> -> memref<1x1536xf32, #tpu.memory_space<hbm>>
        %dma_start3A_17 = tpu.memref_squeeze %dma_start3A_16 : memref<1x1536xf32, #tpu.memory_space<hbm>> -> memref<1536xf32, #tpu.memory_space<hbm>>
        %dma_start3A_18 = arith.constant 0 : i32
        %dma_start3A_19 = tpu.memref_slice %arg3[%add3A, %dma_start3A_18] : memref<8x1536xf32, #tpu.memory_space<hbm>> -> memref<1x1536xf32, #tpu.memory_space<hbm>>
        %dma_start3A_20 = tpu.memref_squeeze %dma_start3A_19 : memref<1x1536xf32, #tpu.memory_space<hbm>> -> memref<1536xf32, #tpu.memory_space<hbm>>
        tpu.enqueue_dma source(%arg6 : memref<1536xf32, #tpu.memory_space<vmem>>) target(%dma_start3A_20 : memref<1536xf32, #tpu.memory_space<hbm>>) target_semaphore(%run_scoped3A : memref<!tpu.dma_semaphore, #tpu.memory_space<semaphore_mem>>)
        %dma_wait3A = arith.constant 0 : i32
        %dma_wait3A_21 = tpu.memref_slice %arg3[%add3A, %dma_wait3A] : memref<8x1536xf32, #tpu.memory_space<hbm>> -> memref<1x1536xf32, #tpu.memory_space<hbm>>
        %dma_wait3A_22 = tpu.memref_squeeze %dma_wait3A_21 : memref<1x1536xf32, #tpu.memory_space<hbm>> -> memref<1536xf32, #tpu.memory_space<hbm>>
        %dma_wait3A_23 = arith.constant 0 : i32
        %dma_wait3A_24 = tpu.memref_slice %arg3[%add3A, %dma_wait3A_23] : memref<8x1536xf32, #tpu.memory_space<hbm>> -> memref<1x1536xf32, #tpu.memory_space<hbm>>
        %dma_wait3A_25 = tpu.memref_squeeze %dma_wait3A_24 : memref<1x1536xf32, #tpu.memory_space<hbm>> -> memref<1536xf32, #tpu.memory_space<hbm>>
        tpu.wait_dma2 semaphore(%run_scoped3A : memref<!tpu.dma_semaphore, #tpu.memory_space<semaphore_mem>>) src(%arg6 : memref<1536xf32, #tpu.memory_space<vmem>>) dst(%dma_wait3A_25 : memref<1536xf32, #tpu.memory_space<hbm>>)
        tpu.yield
      }) : () -> ()
      "tpu.region"() ({
        %run_scoped3A = tpu.sem_alloc : memref<!tpu.dma_semaphore, #tpu.memory_space<semaphore_mem>>
        %dma_start3A = arith.constant 0 : i32
        %dma_start3A_16 = tpu.memref_slice %arg4[%add3A, %dma_start3A] : memref<8x1536xi32, #tpu.memory_space<hbm>> -> memref<1x1536xi32, #tpu.memory_space<hbm>>
        %dma_start3A_17 = tpu.memref_squeeze %dma_start3A_16 : memref<1x1536xi32, #tpu.memory_space<hbm>> -> memref<1536xi32, #tpu.memory_space<hbm>>
        %dma_start3A_18 = arith.constant 0 : i32
        %dma_start3A_19 = tpu.memref_slice %arg4[%add3A, %dma_start3A_18] : memref<8x1536xi32, #tpu.memory_space<hbm>> -> memref<1x1536xi32, #tpu.memory_space<hbm>>
        %dma_start3A_20 = tpu.memref_squeeze %dma_start3A_19 : memref<1x1536xi32, #tpu.memory_space<hbm>> -> memref<1536xi32, #tpu.memory_space<hbm>>
        tpu.enqueue_dma source(%arg7 : memref<1536xi32, #tpu.memory_space<vmem>>) target(%dma_start3A_20 : memref<1536xi32, #tpu.memory_space<hbm>>) target_semaphore(%run_scoped3A : memref<!tpu.dma_semaphore, #tpu.memory_space<semaphore_mem>>)
        %dma_wait3A = arith.constant 0 : i32
        %dma_wait3A_21 = tpu.memref_slice %arg4[%add3A, %dma_wait3A] : memref<8x1536xi32, #tpu.memory_space<hbm>> -> memref<1x1536xi32, #tpu.memory_space<hbm>>
        %dma_wait3A_22 = tpu.memref_squeeze %dma_wait3A_21 : memref<1x1536xi32, #tpu.memory_space<hbm>> -> memref<1536xi32, #tpu.memory_space<hbm>>
        %dma_wait3A_23 = arith.constant 0 : i32
        %dma_wait3A_24 = tpu.memref_slice %arg4[%add3A, %dma_wait3A_23] : memref<8x1536xi32, #tpu.memory_space<hbm>> -> memref<1x1536xi32, #tpu.memory_space<hbm>>
        %dma_wait3A_25 = tpu.memref_squeeze %dma_wait3A_24 : memref<1x1536xi32, #tpu.memory_space<hbm>> -> memref<1536xi32, #tpu.memory_space<hbm>>
        tpu.wait_dma2 semaphore(%run_scoped3A : memref<!tpu.dma_semaphore, #tpu.memory_space<semaphore_mem>>) src(%arg7 : memref<1536xi32, #tpu.memory_space<vmem>>) dst(%dma_wait3A_25 : memref<1536xi32, #tpu.memory_space<hbm>>)
        tpu.yield
      }) : () -> ()
    } else {
    }
    return
  }
}

module attributes {stable_mosaic.version = 14 : i64} {
  func.func @_bisect_body(%arg0: memref<8x30592xf32, #tpu.memory_space<vmem>>, %arg1: memref<8x30592xf32, #tpu.memory_space<vmem>>) attributes {dimension_semantics = [], scalar_prefetch = 0 : i64, scratch_operands = 0 : i64, tpu.core_type = #tpu.core_type<tc>} {
    %get3A = arith.constant 0 : index
    %get3A_0 = arith.constant 0 : index
    %get3A_1 = vector.load %arg0[%get3A, %get3A_0] : memref<8x30592xf32, #tpu.memory_space<vmem>>, vector<8x23168xf32>
    %bitcast_convert_type3A = tpu.bitcast %get3A_1 : vector<8x23168xf32> -> vector<8x23168xi32>
    %broadcast_in_dim3A = arith.constant 0 : i32
    %broadcast_in_dim3A_2 = vector.broadcast %broadcast_in_dim3A : i32 to vector<8x1xi32>
    %broadcast_in_dim3A_3 = arith.constant 1073741824 : i32
    %broadcast_in_dim3A_4 = vector.broadcast %broadcast_in_dim3A_3 : i32 to vector<8x1xi32>
    %scan3A = arith.constant 0 : i32
    %scan3A_5 = arith.constant 31 : i32
    %scan3A_6 = arith.addi %scan3A, %scan3A_5 : i32
    %scan3A_7 = arith.constant 1 : i32
    %scan3A_8:2 = scf.for %scan3A_154 = %scan3A to %scan3A_6 step %scan3A_7 iter_args(%scan3A_155 = %broadcast_in_dim3A_2, %scan3A_156 = %broadcast_in_dim3A_4) -> (vector<8x1xi32>, vector<8x1xi32>)  : i32 {
      %add3A = arith.addi %scan3A_155, %scan3A_156 : vector<8x1xi32>
      %jit3A_157 = arith.constant 2 : i32
      %div3A = vector.broadcast %jit3A_157 : i32 to vector<8x1xi32>
      %div3A_158 = arith.divsi %add3A, %div3A : vector<8x1xi32>
      %sign3A = arith.constant 0 : i32
      %sign3A_159 = vector.broadcast %sign3A : i32 to vector<8x1xi32>
      %sign3A_160 = arith.cmpi sgt, %add3A, %sign3A_159 : vector<8x1xi32>
      %sign3A_161 = arith.extui %sign3A_160 : vector<8x1xi1> to vector<8x1xi32>
      %sign3A_162 = arith.constant 0 : i32
      %sign3A_163 = vector.broadcast %sign3A_162 : i32 to vector<8x1xi32>
      %sign3A_164 = arith.cmpi slt, %add3A, %sign3A_163 : vector<8x1xi32>
      %sign3A_165 = arith.extui %sign3A_164 : vector<8x1xi1> to vector<8x1xi32>
      %sign3A_166 = arith.subi %sign3A_161, %sign3A_165 : vector<8x1xi32>
      %sign3A_167 = arith.constant 0 : i32
      %sign3A_168 = arith.cmpi sgt, %jit3A_157, %sign3A_167 : i32
      %sign3A_169 = arith.extui %sign3A_168 : i1 to i32
      %sign3A_170 = arith.constant 0 : i32
      %sign3A_171 = arith.cmpi slt, %jit3A_157, %sign3A_170 : i32
      %sign3A_172 = arith.extui %sign3A_171 : i1 to i32
      %sign3A_173 = arith.subi %sign3A_169, %sign3A_172 : i32
      %ne3A = vector.broadcast %sign3A_173 : i32 to vector<8x1xi32>
      %ne3A_174 = arith.cmpi ne, %sign3A_166, %ne3A : vector<8x1xi32>
      %rem3A = vector.broadcast %jit3A_157 : i32 to vector<8x1xi32>
      %rem3A_175 = arith.remsi %add3A, %rem3A : vector<8x1xi32>
      %ne3A_176 = arith.constant 0 : i32
      %ne3A_177 = vector.broadcast %ne3A_176 : i32 to vector<8x1xi32>
      %ne3A_178 = arith.cmpi ne, %rem3A_175, %ne3A_177 : vector<8x1xi32>
      %and3A_179 = arith.andi %ne3A_174, %ne3A_178 : vector<8x1xi1>
      %sub3A_180 = arith.constant 1 : i32
      %sub3A_181 = vector.broadcast %sub3A_180 : i32 to vector<8x1xi32>
      %sub3A_182 = arith.subi %div3A_158, %sub3A_181 : vector<8x1xi32>
      %select_n3A_183 = arith.select %and3A_179, %sub3A_182, %div3A_158 : vector<8x1xi1>, vector<8x1xi32>
      %gt3A_184 = vector.broadcast %select_n3A_183 : vector<8x1xi32> to vector<8x23168xi32>
      %gt3A_185 = arith.cmpi sgt, %bitcast_convert_type3A, %gt3A_184 : vector<8x23168xi32>
      %convert_element_type3A_186 = arith.extui %gt3A_185 : vector<8x23168xi1> to vector<8x23168xi32>
      %reduce_sum3A_187 = arith.constant dense<0> : vector<8xi32>
      %reduce_sum3A_188 = vector.multi_reduction <add>, %convert_element_type3A_186, %reduce_sum3A_187 [1] : vector<8x23168xi32> to vector<8xi32>
      %broadcast_in_dim3A_189 = vector.shape_cast %reduce_sum3A_188 : vector<8xi32> to vector<8x1xi32>
      %ge3A = arith.constant 512 : i32
      %ge3A_190 = vector.broadcast %ge3A : i32 to vector<8x1xi32>
      %ge3A_191 = arith.cmpi sge, %broadcast_in_dim3A_189, %ge3A_190 : vector<8x1xi32>
      %select_n3A_192 = arith.select %ge3A_191, %select_n3A_183, %scan3A_155 : vector<8x1xi1>, vector<8x1xi32>
      %select_n3A_193 = arith.select %ge3A_191, %scan3A_156, %select_n3A_183 : vector<8x1xi1>, vector<8x1xi32>
      scf.yield %select_n3A_192, %select_n3A_193 : vector<8x1xi32>, vector<8x1xi32>
    }
    %gt3A = vector.broadcast %scan3A_8#1 : vector<8x1xi32> to vector<8x23168xi32>
    %gt3A_9 = arith.cmpi sgt, %bitcast_convert_type3A, %gt3A : vector<8x23168xi32>
    %convert_element_type3A = arith.extui %gt3A_9 : vector<8x23168xi1> to vector<8x23168xi32>
    %reduce_sum3A = arith.constant dense<0> : vector<8xi32>
    %reduce_sum3A_10 = vector.multi_reduction <add>, %convert_element_type3A, %reduce_sum3A [1] : vector<8x23168xi32> to vector<8xi32>
    %broadcast_in_dim3A_11 = vector.shape_cast %reduce_sum3A_10 : vector<8xi32> to vector<8x1xi32>
    %sub3A = arith.constant 512 : i32
    %sub3A_12 = vector.broadcast %sub3A : i32 to vector<8x1xi32>
    %sub3A_13 = arith.subi %sub3A_12, %broadcast_in_dim3A_11 : vector<8x1xi32>
    %eq3A = vector.broadcast %scan3A_8#1 : vector<8x1xi32> to vector<8x23168xi32>
    %eq3A_14 = arith.cmpi eq, %bitcast_convert_type3A, %eq3A : vector<8x23168xi32>
    %iota3A = tpu.iota {dimensions = array<i32: 1>} : vector<8x23168xi32>
    %broadcast_in_dim3A_15 = arith.constant 0 : i32
    %broadcast_in_dim3A_16 = vector.broadcast %broadcast_in_dim3A_15 : i32 to vector<8x1xi32>
    %broadcast_in_dim3A_17 = arith.constant 32768 : i32
    %broadcast_in_dim3A_18 = vector.broadcast %broadcast_in_dim3A_17 : i32 to vector<8x1xi32>
    %scan3A_19 = arith.constant 0 : i32
    %scan3A_20 = arith.constant 15 : i32
    %scan3A_21 = arith.addi %scan3A_19, %scan3A_20 : i32
    %scan3A_22 = arith.constant 1 : i32
    %scan3A_23:2 = scf.for %scan3A_154 = %scan3A_19 to %scan3A_21 step %scan3A_22 iter_args(%scan3A_155 = %broadcast_in_dim3A_16, %scan3A_156 = %broadcast_in_dim3A_18) -> (vector<8x1xi32>, vector<8x1xi32>)  : i32 {
      %add3A = arith.addi %scan3A_155, %scan3A_156 : vector<8x1xi32>
      %jit3A_157 = arith.constant 2 : i32
      %div3A = vector.broadcast %jit3A_157 : i32 to vector<8x1xi32>
      %div3A_158 = arith.divsi %add3A, %div3A : vector<8x1xi32>
      %sign3A = arith.constant 0 : i32
      %sign3A_159 = vector.broadcast %sign3A : i32 to vector<8x1xi32>
      %sign3A_160 = arith.cmpi sgt, %add3A, %sign3A_159 : vector<8x1xi32>
      %sign3A_161 = arith.extui %sign3A_160 : vector<8x1xi1> to vector<8x1xi32>
      %sign3A_162 = arith.constant 0 : i32
      %sign3A_163 = vector.broadcast %sign3A_162 : i32 to vector<8x1xi32>
      %sign3A_164 = arith.cmpi slt, %add3A, %sign3A_163 : vector<8x1xi32>
      %sign3A_165 = arith.extui %sign3A_164 : vector<8x1xi1> to vector<8x1xi32>
      %sign3A_166 = arith.subi %sign3A_161, %sign3A_165 : vector<8x1xi32>
      %sign3A_167 = arith.constant 0 : i32
      %sign3A_168 = arith.cmpi sgt, %jit3A_157, %sign3A_167 : i32
      %sign3A_169 = arith.extui %sign3A_168 : i1 to i32
      %sign3A_170 = arith.constant 0 : i32
      %sign3A_171 = arith.cmpi slt, %jit3A_157, %sign3A_170 : i32
      %sign3A_172 = arith.extui %sign3A_171 : i1 to i32
      %sign3A_173 = arith.subi %sign3A_169, %sign3A_172 : i32
      %ne3A = vector.broadcast %sign3A_173 : i32 to vector<8x1xi32>
      %ne3A_174 = arith.cmpi ne, %sign3A_166, %ne3A : vector<8x1xi32>
      %rem3A = vector.broadcast %jit3A_157 : i32 to vector<8x1xi32>
      %rem3A_175 = arith.remsi %add3A, %rem3A : vector<8x1xi32>
      %ne3A_176 = arith.constant 0 : i32
      %ne3A_177 = vector.broadcast %ne3A_176 : i32 to vector<8x1xi32>
      %ne3A_178 = arith.cmpi ne, %rem3A_175, %ne3A_177 : vector<8x1xi32>
      %and3A_179 = arith.andi %ne3A_174, %ne3A_178 : vector<8x1xi1>
      %sub3A_180 = arith.constant 1 : i32
      %sub3A_181 = vector.broadcast %sub3A_180 : i32 to vector<8x1xi32>
      %sub3A_182 = arith.subi %div3A_158, %sub3A_181 : vector<8x1xi32>
      %select_n3A_183 = arith.select %and3A_179, %sub3A_182, %div3A_158 : vector<8x1xi1>, vector<8x1xi32>
      %lt3A_184 = vector.broadcast %select_n3A_183 : vector<8x1xi32> to vector<8x23168xi32>
      %lt3A_185 = arith.cmpi slt, %iota3A, %lt3A_184 : vector<8x23168xi32>
      %and3A_186 = arith.andi %eq3A_14, %lt3A_185 : vector<8x23168xi1>
      %convert_element_type3A_187 = arith.extui %and3A_186 : vector<8x23168xi1> to vector<8x23168xi32>
      %reduce_sum3A_188 = arith.constant dense<0> : vector<8xi32>
      %reduce_sum3A_189 = vector.multi_reduction <add>, %convert_element_type3A_187, %reduce_sum3A_188 [1] : vector<8x23168xi32> to vector<8xi32>
      %broadcast_in_dim3A_190 = vector.shape_cast %reduce_sum3A_189 : vector<8xi32> to vector<8x1xi32>
      %ge3A = arith.cmpi sge, %broadcast_in_dim3A_190, %sub3A_13 : vector<8x1xi32>
      %select_n3A_191 = arith.select %ge3A, %scan3A_155, %select_n3A_183 : vector<8x1xi1>, vector<8x1xi32>
      %select_n3A_192 = arith.select %ge3A, %select_n3A_183, %scan3A_156 : vector<8x1xi1>, vector<8x1xi32>
      scf.yield %select_n3A_191, %select_n3A_192 : vector<8x1xi32>, vector<8x1xi32>
    }
    %max3A = arith.constant 1050253722 : i32
    %max3A_24 = vector.broadcast %max3A : i32 to vector<8x1xi32>
    %max3A_25 = arith.maxsi %scan3A_8#1, %max3A_24 : vector<8x1xi32>
    %gt3A_26 = arith.constant 1050253722 : i32
    %gt3A_27 = vector.broadcast %gt3A_26 : i32 to vector<8x1xi32>
    %gt3A_28 = arith.cmpi sgt, %scan3A_8#1, %gt3A_27 : vector<8x1xi32>
    %jit3A = arith.constant -1 : i32
    %broadcast_in_dim3A_29 = vector.broadcast %jit3A : i32 to vector<8x1xi32>
    %select_n3A = arith.select %gt3A_28, %scan3A_23#1, %broadcast_in_dim3A_29 : vector<8x1xi1>, vector<8x1xi32>
    %gt3A_30 = vector.broadcast %max3A_25 : vector<8x1xi32> to vector<8x23168xi32>
    %gt3A_31 = arith.cmpi sgt, %bitcast_convert_type3A, %gt3A_30 : vector<8x23168xi32>
    %eq3A_32 = vector.broadcast %scan3A_8#1 : vector<8x1xi32> to vector<8x23168xi32>
    %eq3A_33 = arith.cmpi eq, %bitcast_convert_type3A, %eq3A_32 : vector<8x23168xi32>
    %lt3A = vector.broadcast %select_n3A : vector<8x1xi32> to vector<8x23168xi32>
    %lt3A_34 = arith.cmpi slt, %iota3A, %lt3A : vector<8x23168xi32>
    %and3A = arith.andi %eq3A_33, %lt3A_34 : vector<8x23168xi1>
    %or3A = arith.ori %gt3A_31, %and3A : vector<8x23168xi1>
    %jit3A_35 = arith.constant -1.000000e+00 : f32
    %broadcast_in_dim3A_36 = vector.broadcast %jit3A_35 : f32 to vector<8x23168xf32>
    %select_n3A_37 = arith.select %or3A, %get3A_1, %broadcast_in_dim3A_36 : vector<8x23168xi1>, vector<8x23168xf32>
    %swap3A = arith.constant 0 : index
    %swap3A_38 = arith.constant 0 : index
    %swap3A_39 = vector.load %arg1[%swap3A, %swap3A_38] : memref<8x30592xf32, #tpu.memory_space<vmem>>, vector<8x23168xf32>
    tpu.vector_store %arg1[%swap3A, %swap3A_38], %select_n3A_37 {strides = array<i32>} : memref<8x30592xf32, #tpu.memory_space<vmem>>, vector<8x23168xf32>,
    %get3A_40 = arith.constant 0 : index
    %get3A_41 = arith.constant 23168 : index
    %get3A_42 = vector.load %arg0[%get3A_40, %get3A_41] : memref<8x30592xf32, #tpu.memory_space<vmem>>, vector<8x5888xf32>
    %bitcast_convert_type3A_43 = tpu.bitcast %get3A_42 : vector<8x5888xf32> -> vector<8x5888xi32>
    %broadcast_in_dim3A_44 = arith.constant 0 : i32
    %broadcast_in_dim3A_45 = vector.broadcast %broadcast_in_dim3A_44 : i32 to vector<8x1xi32>
    %broadcast_in_dim3A_46 = arith.constant 1073741824 : i32
    %broadcast_in_dim3A_47 = vector.broadcast %broadcast_in_dim3A_46 : i32 to vector<8x1xi32>
    %scan3A_48 = arith.constant 0 : i32
    %scan3A_49 = arith.constant 31 : i32
    %scan3A_50 = arith.addi %scan3A_48, %scan3A_49 : i32
    %scan3A_51 = arith.constant 1 : i32
    %scan3A_52:2 = scf.for %scan3A_154 = %scan3A_48 to %scan3A_50 step %scan3A_51 iter_args(%scan3A_155 = %broadcast_in_dim3A_45, %scan3A_156 = %broadcast_in_dim3A_47) -> (vector<8x1xi32>, vector<8x1xi32>)  : i32 {
      %add3A = arith.addi %scan3A_155, %scan3A_156 : vector<8x1xi32>
      %jit3A_157 = arith.constant 2 : i32
      %div3A = vector.broadcast %jit3A_157 : i32 to vector<8x1xi32>
      %div3A_158 = arith.divsi %add3A, %div3A : vector<8x1xi32>
      %sign3A = arith.constant 0 : i32
      %sign3A_159 = vector.broadcast %sign3A : i32 to vector<8x1xi32>
      %sign3A_160 = arith.cmpi sgt, %add3A, %sign3A_159 : vector<8x1xi32>
      %sign3A_161 = arith.extui %sign3A_160 : vector<8x1xi1> to vector<8x1xi32>
      %sign3A_162 = arith.constant 0 : i32
      %sign3A_163 = vector.broadcast %sign3A_162 : i32 to vector<8x1xi32>
      %sign3A_164 = arith.cmpi slt, %add3A, %sign3A_163 : vector<8x1xi32>
      %sign3A_165 = arith.extui %sign3A_164 : vector<8x1xi1> to vector<8x1xi32>
      %sign3A_166 = arith.subi %sign3A_161, %sign3A_165 : vector<8x1xi32>
      %sign3A_167 = arith.constant 0 : i32
      %sign3A_168 = arith.cmpi sgt, %jit3A_157, %sign3A_167 : i32
      %sign3A_169 = arith.extui %sign3A_168 : i1 to i32
      %sign3A_170 = arith.constant 0 : i32
      %sign3A_171 = arith.cmpi slt, %jit3A_157, %sign3A_170 : i32
      %sign3A_172 = arith.extui %sign3A_171 : i1 to i32
      %sign3A_173 = arith.subi %sign3A_169, %sign3A_172 : i32
      %ne3A = vector.broadcast %sign3A_173 : i32 to vector<8x1xi32>
      %ne3A_174 = arith.cmpi ne, %sign3A_166, %ne3A : vector<8x1xi32>
      %rem3A = vector.broadcast %jit3A_157 : i32 to vector<8x1xi32>
      %rem3A_175 = arith.remsi %add3A, %rem3A : vector<8x1xi32>
      %ne3A_176 = arith.constant 0 : i32
      %ne3A_177 = vector.broadcast %ne3A_176 : i32 to vector<8x1xi32>
      %ne3A_178 = arith.cmpi ne, %rem3A_175, %ne3A_177 : vector<8x1xi32>
      %and3A_179 = arith.andi %ne3A_174, %ne3A_178 : vector<8x1xi1>
      %sub3A_180 = arith.constant 1 : i32
      %sub3A_181 = vector.broadcast %sub3A_180 : i32 to vector<8x1xi32>
      %sub3A_182 = arith.subi %div3A_158, %sub3A_181 : vector<8x1xi32>
      %select_n3A_183 = arith.select %and3A_179, %sub3A_182, %div3A_158 : vector<8x1xi1>, vector<8x1xi32>
      %gt3A_184 = vector.broadcast %select_n3A_183 : vector<8x1xi32> to vector<8x5888xi32>
      %gt3A_185 = arith.cmpi sgt, %bitcast_convert_type3A_43, %gt3A_184 : vector<8x5888xi32>
      %convert_element_type3A_186 = arith.extui %gt3A_185 : vector<8x5888xi1> to vector<8x5888xi32>
      %reduce_sum3A_187 = arith.constant dense<0> : vector<8xi32>
      %reduce_sum3A_188 = vector.multi_reduction <add>, %convert_element_type3A_186, %reduce_sum3A_187 [1] : vector<8x5888xi32> to vector<8xi32>
      %broadcast_in_dim3A_189 = vector.shape_cast %reduce_sum3A_188 : vector<8xi32> to vector<8x1xi32>
      %ge3A = arith.constant 512 : i32
      %ge3A_190 = vector.broadcast %ge3A : i32 to vector<8x1xi32>
      %ge3A_191 = arith.cmpi sge, %broadcast_in_dim3A_189, %ge3A_190 : vector<8x1xi32>
      %select_n3A_192 = arith.select %ge3A_191, %select_n3A_183, %scan3A_155 : vector<8x1xi1>, vector<8x1xi32>
      %select_n3A_193 = arith.select %ge3A_191, %scan3A_156, %select_n3A_183 : vector<8x1xi1>, vector<8x1xi32>
      scf.yield %select_n3A_192, %select_n3A_193 : vector<8x1xi32>, vector<8x1xi32>
    }
    %gt3A_53 = vector.broadcast %scan3A_52#1 : vector<8x1xi32> to vector<8x5888xi32>
    %gt3A_54 = arith.cmpi sgt, %bitcast_convert_type3A_43, %gt3A_53 : vector<8x5888xi32>
    %convert_element_type3A_55 = arith.extui %gt3A_54 : vector<8x5888xi1> to vector<8x5888xi32>
    %reduce_sum3A_56 = arith.constant dense<0> : vector<8xi32>
    %reduce_sum3A_57 = vector.multi_reduction <add>, %convert_element_type3A_55, %reduce_sum3A_56 [1] : vector<8x5888xi32> to vector<8xi32>
    %broadcast_in_dim3A_58 = vector.shape_cast %reduce_sum3A_57 : vector<8xi32> to vector<8x1xi32>
    %sub3A_59 = arith.constant 512 : i32
    %sub3A_60 = vector.broadcast %sub3A_59 : i32 to vector<8x1xi32>
    %sub3A_61 = arith.subi %sub3A_60, %broadcast_in_dim3A_58 : vector<8x1xi32>
    %eq3A_62 = vector.broadcast %scan3A_52#1 : vector<8x1xi32> to vector<8x5888xi32>
    %eq3A_63 = arith.cmpi eq, %bitcast_convert_type3A_43, %eq3A_62 : vector<8x5888xi32>
    %iota3A_64 = tpu.iota {dimensions = array<i32: 1>} : vector<8x5888xi32>
    %broadcast_in_dim3A_65 = arith.constant 0 : i32
    %broadcast_in_dim3A_66 = vector.broadcast %broadcast_in_dim3A_65 : i32 to vector<8x1xi32>
    %broadcast_in_dim3A_67 = arith.constant 32768 : i32
    %broadcast_in_dim3A_68 = vector.broadcast %broadcast_in_dim3A_67 : i32 to vector<8x1xi32>
    %scan3A_69 = arith.constant 0 : i32
    %scan3A_70 = arith.constant 15 : i32
    %scan3A_71 = arith.addi %scan3A_69, %scan3A_70 : i32
    %scan3A_72 = arith.constant 1 : i32
    %scan3A_73:2 = scf.for %scan3A_154 = %scan3A_69 to %scan3A_71 step %scan3A_72 iter_args(%scan3A_155 = %broadcast_in_dim3A_66, %scan3A_156 = %broadcast_in_dim3A_68) -> (vector<8x1xi32>, vector<8x1xi32>)  : i32 {
      %add3A = arith.addi %scan3A_155, %scan3A_156 : vector<8x1xi32>
      %jit3A_157 = arith.constant 2 : i32
      %div3A = vector.broadcast %jit3A_157 : i32 to vector<8x1xi32>
      %div3A_158 = arith.divsi %add3A, %div3A : vector<8x1xi32>
      %sign3A = arith.constant 0 : i32
      %sign3A_159 = vector.broadcast %sign3A : i32 to vector<8x1xi32>
      %sign3A_160 = arith.cmpi sgt, %add3A, %sign3A_159 : vector<8x1xi32>
      %sign3A_161 = arith.extui %sign3A_160 : vector<8x1xi1> to vector<8x1xi32>
      %sign3A_162 = arith.constant 0 : i32
      %sign3A_163 = vector.broadcast %sign3A_162 : i32 to vector<8x1xi32>
      %sign3A_164 = arith.cmpi slt, %add3A, %sign3A_163 : vector<8x1xi32>
      %sign3A_165 = arith.extui %sign3A_164 : vector<8x1xi1> to vector<8x1xi32>
      %sign3A_166 = arith.subi %sign3A_161, %sign3A_165 : vector<8x1xi32>
      %sign3A_167 = arith.constant 0 : i32
      %sign3A_168 = arith.cmpi sgt, %jit3A_157, %sign3A_167 : i32
      %sign3A_169 = arith.extui %sign3A_168 : i1 to i32
      %sign3A_170 = arith.constant 0 : i32
      %sign3A_171 = arith.cmpi slt, %jit3A_157, %sign3A_170 : i32
      %sign3A_172 = arith.extui %sign3A_171 : i1 to i32
      %sign3A_173 = arith.subi %sign3A_169, %sign3A_172 : i32
      %ne3A = vector.broadcast %sign3A_173 : i32 to vector<8x1xi32>
      %ne3A_174 = arith.cmpi ne, %sign3A_166, %ne3A : vector<8x1xi32>
      %rem3A = vector.broadcast %jit3A_157 : i32 to vector<8x1xi32>
      %rem3A_175 = arith.remsi %add3A, %rem3A : vector<8x1xi32>
      %ne3A_176 = arith.constant 0 : i32
      %ne3A_177 = vector.broadcast %ne3A_176 : i32 to vector<8x1xi32>
      %ne3A_178 = arith.cmpi ne, %rem3A_175, %ne3A_177 : vector<8x1xi32>
      %and3A_179 = arith.andi %ne3A_174, %ne3A_178 : vector<8x1xi1>
      %sub3A_180 = arith.constant 1 : i32
      %sub3A_181 = vector.broadcast %sub3A_180 : i32 to vector<8x1xi32>
      %sub3A_182 = arith.subi %div3A_158, %sub3A_181 : vector<8x1xi32>
      %select_n3A_183 = arith.select %and3A_179, %sub3A_182, %div3A_158 : vector<8x1xi1>, vector<8x1xi32>
      %lt3A_184 = vector.broadcast %select_n3A_183 : vector<8x1xi32> to vector<8x5888xi32>
      %lt3A_185 = arith.cmpi slt, %iota3A_64, %lt3A_184 : vector<8x5888xi32>
      %and3A_186 = arith.andi %eq3A_63, %lt3A_185 : vector<8x5888xi1>
      %convert_element_type3A_187 = arith.extui %and3A_186 : vector<8x5888xi1> to vector<8x5888xi32>
      %reduce_sum3A_188 = arith.constant dense<0> : vector<8xi32>
      %reduce_sum3A_189 = vector.multi_reduction <add>, %convert_element_type3A_187, %reduce_sum3A_188 [1] : vector<8x5888xi32> to vector<8xi32>
      %broadcast_in_dim3A_190 = vector.shape_cast %reduce_sum3A_189 : vector<8xi32> to vector<8x1xi32>
      %ge3A = arith.cmpi sge, %broadcast_in_dim3A_190, %sub3A_61 : vector<8x1xi32>
      %select_n3A_191 = arith.select %ge3A, %scan3A_155, %select_n3A_183 : vector<8x1xi1>, vector<8x1xi32>
      %select_n3A_192 = arith.select %ge3A, %select_n3A_183, %scan3A_156 : vector<8x1xi1>, vector<8x1xi32>
      scf.yield %select_n3A_191, %select_n3A_192 : vector<8x1xi32>, vector<8x1xi32>
    }
    %max3A_74 = arith.constant 1050253722 : i32
    %max3A_75 = vector.broadcast %max3A_74 : i32 to vector<8x1xi32>
    %max3A_76 = arith.maxsi %scan3A_52#1, %max3A_75 : vector<8x1xi32>
    %gt3A_77 = arith.constant 1050253722 : i32
    %gt3A_78 = vector.broadcast %gt3A_77 : i32 to vector<8x1xi32>
    %gt3A_79 = arith.cmpi sgt, %scan3A_52#1, %gt3A_78 : vector<8x1xi32>
    %jit3A_80 = arith.constant -1 : i32
    %broadcast_in_dim3A_81 = vector.broadcast %jit3A_80 : i32 to vector<8x1xi32>
    %select_n3A_82 = arith.select %gt3A_79, %scan3A_73#1, %broadcast_in_dim3A_81 : vector<8x1xi1>, vector<8x1xi32>
    %gt3A_83 = vector.broadcast %max3A_76 : vector<8x1xi32> to vector<8x5888xi32>
    %gt3A_84 = arith.cmpi sgt, %bitcast_convert_type3A_43, %gt3A_83 : vector<8x5888xi32>
    %eq3A_85 = vector.broadcast %scan3A_52#1 : vector<8x1xi32> to vector<8x5888xi32>
    %eq3A_86 = arith.cmpi eq, %bitcast_convert_type3A_43, %eq3A_85 : vector<8x5888xi32>
    %lt3A_87 = vector.broadcast %select_n3A_82 : vector<8x1xi32> to vector<8x5888xi32>
    %lt3A_88 = arith.cmpi slt, %iota3A_64, %lt3A_87 : vector<8x5888xi32>
    %and3A_89 = arith.andi %eq3A_86, %lt3A_88 : vector<8x5888xi1>
    %or3A_90 = arith.ori %gt3A_84, %and3A_89 : vector<8x5888xi1>
    %jit3A_91 = arith.constant -1.000000e+00 : f32
    %broadcast_in_dim3A_92 = vector.broadcast %jit3A_91 : f32 to vector<8x5888xf32>
    %select_n3A_93 = arith.select %or3A_90, %get3A_42, %broadcast_in_dim3A_92 : vector<8x5888xi1>, vector<8x5888xf32>
    %swap3A_94 = arith.constant 0 : index
    %swap3A_95 = arith.constant 23168 : index
    %swap3A_96 = vector.load %arg1[%swap3A_94, %swap3A_95] : memref<8x30592xf32, #tpu.memory_space<vmem>>, vector<8x5888xf32>
    tpu.vector_store %arg1[%swap3A_94, %swap3A_95], %select_n3A_93 {strides = array<i32>} : memref<8x30592xf32, #tpu.memory_space<vmem>>, vector<8x5888xf32>,
    %get3A_97 = arith.constant 0 : index
    %get3A_98 = arith.constant 29056 : index
    %get3A_99 = vector.load %arg0[%get3A_97, %get3A_98] : memref<8x30592xf32, #tpu.memory_space<vmem>>, vector<8x1536xf32>
    %bitcast_convert_type3A_100 = tpu.bitcast %get3A_99 : vector<8x1536xf32> -> vector<8x1536xi32>
    %broadcast_in_dim3A_101 = arith.constant 0 : i32
    %broadcast_in_dim3A_102 = vector.broadcast %broadcast_in_dim3A_101 : i32 to vector<8x1xi32>
    %broadcast_in_dim3A_103 = arith.constant 1073741824 : i32
    %broadcast_in_dim3A_104 = vector.broadcast %broadcast_in_dim3A_103 : i32 to vector<8x1xi32>
    %scan3A_105 = arith.constant 0 : i32
    %scan3A_106 = arith.constant 31 : i32
    %scan3A_107 = arith.addi %scan3A_105, %scan3A_106 : i32
    %scan3A_108 = arith.constant 1 : i32
    %scan3A_109:2 = scf.for %scan3A_154 = %scan3A_105 to %scan3A_107 step %scan3A_108 iter_args(%scan3A_155 = %broadcast_in_dim3A_102, %scan3A_156 = %broadcast_in_dim3A_104) -> (vector<8x1xi32>, vector<8x1xi32>)  : i32 {
      %add3A = arith.addi %scan3A_155, %scan3A_156 : vector<8x1xi32>
      %jit3A_157 = arith.constant 2 : i32
      %div3A = vector.broadcast %jit3A_157 : i32 to vector<8x1xi32>
      %div3A_158 = arith.divsi %add3A, %div3A : vector<8x1xi32>
      %sign3A = arith.constant 0 : i32
      %sign3A_159 = vector.broadcast %sign3A : i32 to vector<8x1xi32>
      %sign3A_160 = arith.cmpi sgt, %add3A, %sign3A_159 : vector<8x1xi32>
      %sign3A_161 = arith.extui %sign3A_160 : vector<8x1xi1> to vector<8x1xi32>
      %sign3A_162 = arith.constant 0 : i32
      %sign3A_163 = vector.broadcast %sign3A_162 : i32 to vector<8x1xi32>
      %sign3A_164 = arith.cmpi slt, %add3A, %sign3A_163 : vector<8x1xi32>
      %sign3A_165 = arith.extui %sign3A_164 : vector<8x1xi1> to vector<8x1xi32>
      %sign3A_166 = arith.subi %sign3A_161, %sign3A_165 : vector<8x1xi32>
      %sign3A_167 = arith.constant 0 : i32
      %sign3A_168 = arith.cmpi sgt, %jit3A_157, %sign3A_167 : i32
      %sign3A_169 = arith.extui %sign3A_168 : i1 to i32
      %sign3A_170 = arith.constant 0 : i32
      %sign3A_171 = arith.cmpi slt, %jit3A_157, %sign3A_170 : i32
      %sign3A_172 = arith.extui %sign3A_171 : i1 to i32
      %sign3A_173 = arith.subi %sign3A_169, %sign3A_172 : i32
      %ne3A = vector.broadcast %sign3A_173 : i32 to vector<8x1xi32>
      %ne3A_174 = arith.cmpi ne, %sign3A_166, %ne3A : vector<8x1xi32>
      %rem3A = vector.broadcast %jit3A_157 : i32 to vector<8x1xi32>
      %rem3A_175 = arith.remsi %add3A, %rem3A : vector<8x1xi32>
      %ne3A_176 = arith.constant 0 : i32
      %ne3A_177 = vector.broadcast %ne3A_176 : i32 to vector<8x1xi32>
      %ne3A_178 = arith.cmpi ne, %rem3A_175, %ne3A_177 : vector<8x1xi32>
      %and3A_179 = arith.andi %ne3A_174, %ne3A_178 : vector<8x1xi1>
      %sub3A_180 = arith.constant 1 : i32
      %sub3A_181 = vector.broadcast %sub3A_180 : i32 to vector<8x1xi32>
      %sub3A_182 = arith.subi %div3A_158, %sub3A_181 : vector<8x1xi32>
      %select_n3A_183 = arith.select %and3A_179, %sub3A_182, %div3A_158 : vector<8x1xi1>, vector<8x1xi32>
      %gt3A_184 = vector.broadcast %select_n3A_183 : vector<8x1xi32> to vector<8x1536xi32>
      %gt3A_185 = arith.cmpi sgt, %bitcast_convert_type3A_100, %gt3A_184 : vector<8x1536xi32>
      %convert_element_type3A_186 = arith.extui %gt3A_185 : vector<8x1536xi1> to vector<8x1536xi32>
      %reduce_sum3A_187 = arith.constant dense<0> : vector<8xi32>
      %reduce_sum3A_188 = vector.multi_reduction <add>, %convert_element_type3A_186, %reduce_sum3A_187 [1] : vector<8x1536xi32> to vector<8xi32>
      %broadcast_in_dim3A_189 = vector.shape_cast %reduce_sum3A_188 : vector<8xi32> to vector<8x1xi32>
      %ge3A = arith.constant 512 : i32
      %ge3A_190 = vector.broadcast %ge3A : i32 to vector<8x1xi32>
      %ge3A_191 = arith.cmpi sge, %broadcast_in_dim3A_189, %ge3A_190 : vector<8x1xi32>
      %select_n3A_192 = arith.select %ge3A_191, %select_n3A_183, %scan3A_155 : vector<8x1xi1>, vector<8x1xi32>
      %select_n3A_193 = arith.select %ge3A_191, %scan3A_156, %select_n3A_183 : vector<8x1xi1>, vector<8x1xi32>
      scf.yield %select_n3A_192, %select_n3A_193 : vector<8x1xi32>, vector<8x1xi32>
    }
    %gt3A_110 = vector.broadcast %scan3A_109#1 : vector<8x1xi32> to vector<8x1536xi32>
    %gt3A_111 = arith.cmpi sgt, %bitcast_convert_type3A_100, %gt3A_110 : vector<8x1536xi32>
    %convert_element_type3A_112 = arith.extui %gt3A_111 : vector<8x1536xi1> to vector<8x1536xi32>
    %reduce_sum3A_113 = arith.constant dense<0> : vector<8xi32>
    %reduce_sum3A_114 = vector.multi_reduction <add>, %convert_element_type3A_112, %reduce_sum3A_113 [1] : vector<8x1536xi32> to vector<8xi32>
    %broadcast_in_dim3A_115 = vector.shape_cast %reduce_sum3A_114 : vector<8xi32> to vector<8x1xi32>
    %sub3A_116 = arith.constant 512 : i32
    %sub3A_117 = vector.broadcast %sub3A_116 : i32 to vector<8x1xi32>
    %sub3A_118 = arith.subi %sub3A_117, %broadcast_in_dim3A_115 : vector<8x1xi32>
    %eq3A_119 = vector.broadcast %scan3A_109#1 : vector<8x1xi32> to vector<8x1536xi32>
    %eq3A_120 = arith.cmpi eq, %bitcast_convert_type3A_100, %eq3A_119 : vector<8x1536xi32>
    %iota3A_121 = tpu.iota {dimensions = array<i32: 1>} : vector<8x1536xi32>
    %broadcast_in_dim3A_122 = arith.constant 0 : i32
    %broadcast_in_dim3A_123 = vector.broadcast %broadcast_in_dim3A_122 : i32 to vector<8x1xi32>
    %broadcast_in_dim3A_124 = arith.constant 32768 : i32
    %broadcast_in_dim3A_125 = vector.broadcast %broadcast_in_dim3A_124 : i32 to vector<8x1xi32>
    %scan3A_126 = arith.constant 0 : i32
    %scan3A_127 = arith.constant 15 : i32
    %scan3A_128 = arith.addi %scan3A_126, %scan3A_127 : i32
    %scan3A_129 = arith.constant 1 : i32
    %scan3A_130:2 = scf.for %scan3A_154 = %scan3A_126 to %scan3A_128 step %scan3A_129 iter_args(%scan3A_155 = %broadcast_in_dim3A_123, %scan3A_156 = %broadcast_in_dim3A_125) -> (vector<8x1xi32>, vector<8x1xi32>)  : i32 {
      %add3A = arith.addi %scan3A_155, %scan3A_156 : vector<8x1xi32>
      %jit3A_157 = arith.constant 2 : i32
      %div3A = vector.broadcast %jit3A_157 : i32 to vector<8x1xi32>
      %div3A_158 = arith.divsi %add3A, %div3A : vector<8x1xi32>
      %sign3A = arith.constant 0 : i32
      %sign3A_159 = vector.broadcast %sign3A : i32 to vector<8x1xi32>
      %sign3A_160 = arith.cmpi sgt, %add3A, %sign3A_159 : vector<8x1xi32>
      %sign3A_161 = arith.extui %sign3A_160 : vector<8x1xi1> to vector<8x1xi32>
      %sign3A_162 = arith.constant 0 : i32
      %sign3A_163 = vector.broadcast %sign3A_162 : i32 to vector<8x1xi32>
      %sign3A_164 = arith.cmpi slt, %add3A, %sign3A_163 : vector<8x1xi32>
      %sign3A_165 = arith.extui %sign3A_164 : vector<8x1xi1> to vector<8x1xi32>
      %sign3A_166 = arith.subi %sign3A_161, %sign3A_165 : vector<8x1xi32>
      %sign3A_167 = arith.constant 0 : i32
      %sign3A_168 = arith.cmpi sgt, %jit3A_157, %sign3A_167 : i32
      %sign3A_169 = arith.extui %sign3A_168 : i1 to i32
      %sign3A_170 = arith.constant 0 : i32
      %sign3A_171 = arith.cmpi slt, %jit3A_157, %sign3A_170 : i32
      %sign3A_172 = arith.extui %sign3A_171 : i1 to i32
      %sign3A_173 = arith.subi %sign3A_169, %sign3A_172 : i32
      %ne3A = vector.broadcast %sign3A_173 : i32 to vector<8x1xi32>
      %ne3A_174 = arith.cmpi ne, %sign3A_166, %ne3A : vector<8x1xi32>
      %rem3A = vector.broadcast %jit3A_157 : i32 to vector<8x1xi32>
      %rem3A_175 = arith.remsi %add3A, %rem3A : vector<8x1xi32>
      %ne3A_176 = arith.constant 0 : i32
      %ne3A_177 = vector.broadcast %ne3A_176 : i32 to vector<8x1xi32>
      %ne3A_178 = arith.cmpi ne, %rem3A_175, %ne3A_177 : vector<8x1xi32>
      %and3A_179 = arith.andi %ne3A_174, %ne3A_178 : vector<8x1xi1>
      %sub3A_180 = arith.constant 1 : i32
      %sub3A_181 = vector.broadcast %sub3A_180 : i32 to vector<8x1xi32>
      %sub3A_182 = arith.subi %div3A_158, %sub3A_181 : vector<8x1xi32>
      %select_n3A_183 = arith.select %and3A_179, %sub3A_182, %div3A_158 : vector<8x1xi1>, vector<8x1xi32>
      %lt3A_184 = vector.broadcast %select_n3A_183 : vector<8x1xi32> to vector<8x1536xi32>
      %lt3A_185 = arith.cmpi slt, %iota3A_121, %lt3A_184 : vector<8x1536xi32>
      %and3A_186 = arith.andi %eq3A_120, %lt3A_185 : vector<8x1536xi1>
      %convert_element_type3A_187 = arith.extui %and3A_186 : vector<8x1536xi1> to vector<8x1536xi32>
      %reduce_sum3A_188 = arith.constant dense<0> : vector<8xi32>
      %reduce_sum3A_189 = vector.multi_reduction <add>, %convert_element_type3A_187, %reduce_sum3A_188 [1] : vector<8x1536xi32> to vector<8xi32>
      %broadcast_in_dim3A_190 = vector.shape_cast %reduce_sum3A_189 : vector<8xi32> to vector<8x1xi32>
      %ge3A = arith.cmpi sge, %broadcast_in_dim3A_190, %sub3A_118 : vector<8x1xi32>
      %select_n3A_191 = arith.select %ge3A, %scan3A_155, %select_n3A_183 : vector<8x1xi1>, vector<8x1xi32>
      %select_n3A_192 = arith.select %ge3A, %select_n3A_183, %scan3A_156 : vector<8x1xi1>, vector<8x1xi32>
      scf.yield %select_n3A_191, %select_n3A_192 : vector<8x1xi32>, vector<8x1xi32>
    }
    %max3A_131 = arith.constant 1050253722 : i32
    %max3A_132 = vector.broadcast %max3A_131 : i32 to vector<8x1xi32>
    %max3A_133 = arith.maxsi %scan3A_109#1, %max3A_132 : vector<8x1xi32>
    %gt3A_134 = arith.constant 1050253722 : i32
    %gt3A_135 = vector.broadcast %gt3A_134 : i32 to vector<8x1xi32>
    %gt3A_136 = arith.cmpi sgt, %scan3A_109#1, %gt3A_135 : vector<8x1xi32>
    %jit3A_137 = arith.constant -1 : i32
    %broadcast_in_dim3A_138 = vector.broadcast %jit3A_137 : i32 to vector<8x1xi32>
    %select_n3A_139 = arith.select %gt3A_136, %scan3A_130#1, %broadcast_in_dim3A_138 : vector<8x1xi1>, vector<8x1xi32>
    %gt3A_140 = vector.broadcast %max3A_133 : vector<8x1xi32> to vector<8x1536xi32>
    %gt3A_141 = arith.cmpi sgt, %bitcast_convert_type3A_100, %gt3A_140 : vector<8x1536xi32>
    %eq3A_142 = vector.broadcast %scan3A_109#1 : vector<8x1xi32> to vector<8x1536xi32>
    %eq3A_143 = arith.cmpi eq, %bitcast_convert_type3A_100, %eq3A_142 : vector<8x1536xi32>
    %lt3A_144 = vector.broadcast %select_n3A_139 : vector<8x1xi32> to vector<8x1536xi32>
    %lt3A_145 = arith.cmpi slt, %iota3A_121, %lt3A_144 : vector<8x1536xi32>
    %and3A_146 = arith.andi %eq3A_143, %lt3A_145 : vector<8x1536xi1>
    %or3A_147 = arith.ori %gt3A_141, %and3A_146 : vector<8x1536xi1>
    %jit3A_148 = arith.constant -1.000000e+00 : f32
    %broadcast_in_dim3A_149 = vector.broadcast %jit3A_148 : f32 to vector<8x1536xf32>
    %select_n3A_150 = arith.select %or3A_147, %get3A_99, %broadcast_in_dim3A_149 : vector<8x1536xi1>, vector<8x1536xf32>
    %swap3A_151 = arith.constant 0 : index
    %swap3A_152 = arith.constant 29056 : index
    %swap3A_153 = vector.load %arg1[%swap3A_151, %swap3A_152] : memref<8x30592xf32, #tpu.memory_space<vmem>>, vector<8x1536xf32>
    tpu.vector_store %arg1[%swap3A_151, %swap3A_152], %select_n3A_150 {strides = array<i32>} : memref<8x30592xf32, #tpu.memory_space<vmem>>, vector<8x1536xf32>,
    return
  }
}

</mosaic_0001>

<sc_bundles>
// kernel: gather_offload_async_start
scs
__scs_entry_jumppad:
0x0: {  	(pc) =	sbr.rel $0x88, $3  }
0x1: {  	(tag) =	ssettag $0x0;
	lr =	simm.s32 $0x1  }
0x2: {  	[smem:$0x3F9E] =	sst lr;
	_ =	strace $0xD0000000  }
0x3: {  	_ = 	snop  }
0x4: {  	_ = 	snop  }
0x5: {  	_ = 	snop  }
0x6: {  	_ = 	snop  }
0x7: {  	_ = 	snop  }
__scs_overlays_trampoline_lowered:
0x8: {  	[smem:$0x3FAD] =	sst s0  }
0x9: {  	[smem:$0x3FAE] =	sst s1  }
0xa: {  	[smem:$0x3FAF] =	sst s2  }
0xb: {  	[smem:$0x3FB0] =	sst s3  }
0xc: {  	[smem:$0x3FB1] =	sst s4  }
0xd: {  	[smem:$0x3FB2] =	sst s5  }
0xe: {  	[smem:$0x3FB3] =	sst s6  }
0xf: {  	[smem:$0x3FB4] =	sst s7  }
0x10: {  	[smem:$0x3FB5] =	sst s8  }
0x11: {  	[smem:$0x3FB6] =	sst s9;
	s0 =	simm.s32 @!p0 $0x0  }
0x12: {  	s1 =	sld [smem:$0x3F9C];
	s0 =	simm.s32 @p0 $0x1  }
0x13: {  	[smem:$0x3FB7] =	sst s0;
	s0 =	simm.s32 @!p1 $0x0  }
0x14: {  	s2 =	sld [smem:$0x3F9B];
	s0 =	simm.s32 @p1 $0x1  }
0x15: {  	[smem:$0x3FB8] =	sst s0;
	s0 =	simm.s32 @!p2 $0x0  }
0x16: {  	s3 =	sld [smem:$0x3FDB];
	s0 =	simm.s32 @p2 $0x1  }
0x17: {  	s4 =	simm.s32 $0x1BF5;
	[smem:$0x3FBA] =	sst s0  }
0x18: {  	s0 =	sld [smem:$0x3F9D];
	_ =	swait.ge [sflag:s4], $0x0  }
0x19: {  	s7 =	sld [smem:$0x3F9E]  }
0x1a: {  	s8 =	sadd.s32 $0xFFFFE003, lr  }
0x1b: {  	s9 =	sadd.s32 $0xFFFFFEF7, lr;
	s5 =	simm.s32 $0xFFFFFFFF;
	p2 =	slt.u32 s8, $0xFFFFF086  }
0x1c: {  	p1 =	slt.u32 s9, $0xF7A;
	s5 =	simm.s32 @!p2 $0x0  }
0x1d: {  	s5 =	simm.s32 @p1 $0x1;
	p0 =	seq.s32 s7, s2  }
0x1e: {  	s7 =	smul.u32 @!p0 $0xF7A, s2;
	p2 =	seq.s32 @!p0 s5, $0x0  }
0x1f: {  	s9 =	smul.u32 $0xF7A, s1;
	s8 =	simm.s32 @!p0 $0x1BF5;
	p2 =	por !p2, p0  }
0x20: {  	[sflag:s8] =	ssyncset.s32 @!p0 $0xFFFFF086;
	s6 =	sadd.s32 @!p0 s3, s7;
	s7 =	simm.s32 @!p0 $0x108  }
0x21: {  	s3 =	sadd.s32 s3, s9;
	s6 =	sadd.s32 @!p0 $0x88, s6;
	s7 =	simm.s32 @p2 $0x1082  }
0x22: {  	[simem:s7], [sflag:s8] =	dma.local @!p0 [hbm:s6], $0xF7A  }
0x23: {  	s9 =	sor.u32 $0xD0000000, s2;
	s6 =	simm.s32 $0x108;
	_ =	swait.ge @!p0 [sflag:s8], $0x0  }
0x24: {  	s3 =	sadd.s32 $0x88, s3;
	s6 =	simm.s32 @!p1 $0x1082;
	[sflag:s4] =	ssyncset.s32 $0xFFFFF086  }
0x25: {  	[simem:s6], [sflag:s4] =	dma.local [hbm:s3], $0xF7A  }
0x26: {  	[smem:$0x3F9E] =	sst s1;
	(tag) =	ssettag s2;
	_ =	strace s9  }
0x27: {  	s1 =	sld [smem:$0x3FAE]  }
0x28: {  	s2 =	sld [smem:$0x3FAF]  }
0x29: {  	s4 =	sld [smem:$0x3FB1]  }
0x2a: {  	p0 =	seq.s32 s5, $0x0;
	s5 =	sld [smem:$0x3FB2]  }
0x2b: {  	s6 =	sld [smem:$0x3FB3]  }
0x2c: {  	s7 =	sld [smem:$0x3FB4]  }
0x2d: {  	s3 =	simm.s32 $0x108;
	s8 =	sld [smem:$0x3FB5]  }
0x2e: {  	s3 =	simm.s32 @!p0 $0x1082;
	s9 =	sld [smem:$0x3FB6]  }
0x2f: {  	lr =	sadd.s32 s0, s3;
	s0 =	sld [smem:$0x3FAD]  }
0x30: {  	s3 =	sld [smem:$0x3FB0]  }
0x31: {  	[smem:$0x3FB9] =	sst s10  }
0x32: {  	s10 =	sld [smem:$0x3FB7];
	_ =	sdelay $0x3  }
0x33: {  	p0 =	seq.s32 s10, $0x1;
	s10 =	sld [smem:$0x3FB9];
	_ =	sdelay $0x3  }
0x34: {  	[smem:$0x3FB9] =	sst s10  }
0x35: {  	s10 =	sld [smem:$0x3FB8];
	_ =	sdelay $0x3  }
0x36: {  	p1 =	seq.s32 s10, $0x1;
	s10 =	sld [smem:$0x3FB9];
	_ =	sdelay $0x3  }
0x37: {  	[smem:$0x3FB9] =	sst s10  }
0x38: {  	s10 =	sld [smem:$0x3FBA]  }
0x39: {  	_ = 	snop;
	(pc) =	sbr.ind lr, $3  }
0x3a: {  	_ = 	snop  }
0x3b: {  	_ = 	snop  }
0x3c: {  	p2 =	seq.s32 s10, $0x1;
	s10 =	sld [smem:$0x3FB9]  }
0x3d: {  	_ =	shalt  }
0x3e: {  	_ =	shalt  }
0x3f: {  	_ =	shalt  }
0x40: {  	_ =	shalt  }
0x41: {  	_ =	shalt  }
0x42: {  	_ =	shalt  }
0x43: {  	_ =	shalt  }
0x44: {  	_ =	shalt  }
0x45: {  	_ =	shalt  }
0x46: {  	_ =	shalt  }
0x47: {  	_ =	shalt  }
0x48: {  	_ =	shalt  }
0x49: {  	_ =	shalt  }
0x4a: {  	_ =	shalt  }
0x4b: {  	_ =	shalt  }
0x4c: {  	_ =	shalt  }
0x4d: {  	_ =	shalt  }
0x4e: {  	_ =	shalt  }
0x4f: {  	_ =	shalt  }
0x50: {  	_ =	shalt  }
0x51: {  	_ =	shalt  }
0x52: {  	_ =	shalt  }
0x53: {  	_ =	shalt  }
0x54: {  	_ =	shalt  }
0x55: {  	_ =	shalt  }
0x56: {  	_ =	shalt  }
0x57: {  	_ =	shalt  }
0x58: {  	_ =	shalt  }
0x59: {  	_ =	shalt  }
0x5a: {  	_ =	shalt  }
0x5b: {  	_ =	shalt  }
0x5c: {  	_ =	shalt  }
0x5d: {  	_ =	shalt  }
0x5e: {  	_ =	shalt  }
0x5f: {  	_ =	shalt  }
0x60: {  	_ =	shalt  }
0x61: {  	_ =	shalt  }
0x62: {  	_ =	shalt  }
0x63: {  	_ =	shalt  }
0x64: {  	_ =	shalt  }
0x65: {  	_ =	shalt  }
0x66: {  	_ =	shalt  }
0x67: {  	_ =	shalt  }
0x68: {  	_ =	shalt  }
0x69: {  	_ =	shalt  }
0x6a: {  	_ =	shalt  }
0x6b: {  	_ =	shalt  }
0x6c: {  	_ =	shalt  }
0x6d: {  	_ =	shalt  }
0x6e: {  	_ =	shalt  }
0x6f: {  	_ =	shalt  }
0x70: {  	_ =	shalt  }
0x71: {  	_ =	shalt  }
0x72: {  	_ =	shalt  }
0x73: {  	_ =	shalt  }
0x74: {  	_ =	shalt  }
0x75: {  	_ =	shalt  }
0x76: {  	_ =	shalt  }
0x77: {  	_ =	shalt  }
0x78: {  	_ =	shalt  }
0x79: {  	_ =	shalt  }
0x7a: {  	_ =	shalt  }
0x7b: {  	_ =	shalt  }
0x7c: {  	_ =	shalt  }
0x7d: {  	_ =	shalt  }
0x7e: {  	_ =	shalt  }
0x7f: {  	_ =	shalt  }
0x80: {  	_ =	shalt  }
0x81: {  	_ =	shalt  }
0x82: {  	_ =	shalt  }
0x83: {  	_ =	shalt  }
0x84: {  	_ =	shalt  }
0x85: {  	_ =	shalt  }
0x86: {  	_ =	shalt  }
0x87: {  	_ =	shalt  }
.Lfunc_end0:
.L_simem_size_0:
called_computation_lowered:
.L_overlay_start_0:
0x88: {  	s2 =	sld [smem:$0x3FD9]  }
0x89: {  	s3 =	sld [smem:$0x3FFE];
	_ =	sdelay $0x1  }
0x8a: {  	s1 =	srdreg.scid  }
0x8b: {  	s0 =	sand.u32 $0x1, s1  }
0x8c: {  	s17 =	sshll.u32 s0, $0xA;
	s2 =	sadd.s32 s3, s2  }
0x8d: {  	s2 =	sadd.s32 s2, s17  }
0x8e: {  	[smem:$0x3FC5] =	sst s2  }
0x8f: {  	_ = 	snop  }
0x90: {  	s2 =	sld [smem:$0x3FD0];
	(tm) =	ssettm $0x1  }
0x91: {  	s18 =	sld [smem:$0x3FFB];
	_ =	sdelay $0x3  }
0x92: {  	_ =	strace s18  }
0x93: {  	s3 =	sld [smem:$0x3FFC];
	_ =	sdelay $0x3  }
0x94: {  	_ =	strace s3  }
0x95: {  	s3 =	sld [smem:$0x3FFD];
	_ =	sdelay $0x3  }
0x96: {  	_ =	strace s3  }
0x97: {  	_ =	strace $0x8FFFFFFF  }
0x98: {  	s19 =	sld [smem:$0x3FDB];
	_ =	sdelay $0x1  }
0x99: {  	s4 =	simm.s32 $_scs_section_size  }
0x9a: {  	s5 =	simm.s32 $_size__tile_overlayer_lowered;
	s6 =	simm.s32 $_tile_overlayer_lowered  }
0x9b: {  	s22 =	simm.s32 $0x1BFF;
	s21 =	sshll.u32 s6, $0x1;
	s3 =	sadd.s32 s4, s19  }
0x9c: {  	s7 =	simm.s32 $0x0;
	s20 =	sshll.u32 s5, $0x1;
	s5 =	sadd.s32 s21, s3  }
0x9d: {  	[timem:s7], [sflag:s22] =	dma.local [hbm:s5], s20  }
0x9e: {  	_ =	swait.ge [sflag:s22], s20  }
0x9f: {  	s4 =	ssub.s32 $0x0, s20;
	[sflag:s22] =	ssyncset.done $0x0  }
0xa0: {  	[sflag:s22] =	ssyncadd.s32 s4;
	_ =	sdelay $0x1  }
0xa1: {  	s23 =	simm.s32 $0x1B8B  }
0xa2: {  	_ =	swait.ge [sflag:s23], $0x1  }
0xa3: {  	[sflag:s23] =	ssyncset.done $0x0  }
0xa4: {  	s25 =	simm.s32 $0x1B8E;
	s24 =	sld [smem:$0x3FFE];
	[sflag:s23] =	ssyncadd.s32 $0xFFFFFFFF  }
0xa5: {  	s26 =	simm.s32 $execute0_lowered;
	[smem:$0x3FD2] =	sst s25  }
0xa6: {  	s5 =	sshll.u32 s26, $0x1;
	_ =	strace $0x80000049;
	[dreg:$0x1] =	wrdreg $0xFFFFFFFF  }
0xa7: {  	s28 =	simm.s32 $_size_execute0_lowered;
	s3 =	sadd.s32 s3, s5;
	[dreg:$0x0] =	wrdreg $0x0  }
0xa8: {  	s5 =	sshll.u32 s28, $0x1;
	[dreg:$0x2] =	wrdreg s3  }
0xa9: {  	[dreg:$0x3] =	wrdreg s5  }
0xaa: {  	[dreg:$0x4] =	wrdreg $0xC0  }
0xab: {  	_ =	task [dreg:s7], $0x5FFFF  }
0xac: {  	[dreg:$0x1] =	wrdreg $0xFFFFFFFF  }
0xad: {  	[dreg:$0x0] =	wrdreg $0x60  }
0xae: {  	[dreg:$0x2] =	wrdreg s24  }
0xaf: {  	[dreg:$0x3] =	wrdreg s2  }
0xb0: {  	[dreg:$0x4] =	wrdreg $0x9  }
0xb1: {  	_ =	task.clear_ibuf [dreg:s7], $0x5FFFF;
	_ =	strace $0x90000049  }
0xb2: {  	s29 =	simm.s32 $0x9;
	_ =	strace $0x8000004B  }
0xb3: {  	_ =	swait.ge [sflag:s29], $0x1  }
0xb4: {  	[sflag:s29] =	ssyncadd.s32 $0xFFFFFFFF  }
0xb5: {  	_ =	strace $0x9000004B  }
0xb6: {  	_ =	sfence  }
0xb7: {  	s30 =	sld [smem:$0x0];
	_ =	sdelay $0x2  }
0xb8: {  	s31 =	sshll.u32 s1, $0xD;
	s1 =	sshrl.u32 s1, $0x2  }
0xb9: {  	s3 =	sand.u32 $0x4000, s31;
	s1 =	sadd.s32 s1, s30  }
0xba: {  	s0 =	sor.u32 s3, s0;
	s1 =	sshll.u32 s1, $0x11  }
0xbb: {  	s0 =	sor.u32 s1, s0  }
0xbc: {  	s0 =	sadd.s32 $0x8F2B, s0  }
0xbd: {  	[sflag:s0] =	ssyncadd.remote.s32 $0x1  }
0xbe: {  	_ =	sfence.sel $0xFFFF  }
0xbf: {  	[dreg:$0x0] =	wrdreg $0xFFFFFFFF;
	(pc) =	sbr.abs _section_cstart, $3  }
0xc0: {  	[dreg:$0x1] =	wrdreg $0xFFFFFFFF  }
0xc1: {  	_ =	task.clear_ibuf [dreg:s7], $0x2FFFF;
	_ =	strace $0x9FFFFFFF  }
0xc2: {  	(tm) =	ssettm $0x7FFFFFFF  }
0xc3: {  	_ =	shalt  }
tec
execute0_lowered:
.L_overlay_start_1:
0x0: {  	(tag) =	ssettag $0x1  }
0x1: {  	s7 =	rddreg [dreg:$0x0]  }
0x2: {  	s0 =	srdreg.scid;
	s2 =	rddreg [dreg:$0x1]  }
0x3: {  	s1 =	stileid.u32;
	s5 =	simm.s32 $0x2;
	s9 =	simm.s32 $0x3  }
0x4: {  	s3 =	sshll.u32 s0, $0x4;
	s0 =	rddreg [dreg:$0x2];
	_ =	strace $0x8000004A  }
.Ltmp0:
0x5: {  	s4 =	sand.u32 $0x10, s3;
	s3 =	simm.s32 $0x1;
	(pc) =	sbr.rel .LBB2_1-.Ltmp0, $4  }
0x6: {  	s12 =	simm.s32 $0x0;
	s4 =	sor.u32 s1, s4;
	[sflag:s3] =	ssyncpa.u1 $0x0  }
0x7: {  	s10 =	simm.s32 $0x0;
	s4 =	smul.u32 $0x180, s4;
	[sflag:s5] =	ssyncpa.u1 $0x0  }
0x8: {  	s6 =	sadd.s32 $0x9E00, s7;
	s7 =	sadd.s32 $0x3C5E00, s7;
	[sflag:s9] =	ssyncpa.u1 $0x0  }
0x9: {  	vm0 =	vmmov $0xff;
	vm1 =	vcmask $0x3F20;
	s9 =	simm.s32 $0x180;
	s8 =	sadd.s32 $0x180, s4;
	s11 =	smov.u32 s4  }
.LBB2_10:
0xa: {  	s12 =	sshrl.u32 s11, $0x3  }
0xb: {  	s13 =	sand.u32 $0x7, s11;
	s12 =	sadd.s32 s2, s12  }
0xc: {  	[tilespmem:s9], [sflag:$0x2] =	stream.linear.gather [hbm4b:s12+s13], $0x180, $0x38;
	[tilespmem:$0x18300] =	vst v63  }
.LBB2_8:
0xd: {  	s12 =	sadd.s32 $0x180, s11  }
0xe: {  	s13 =	smov.u32 s4;
	p0 =	slt.s32 s12, s8  }
0xf: {  	s13 =	smov.u32 @p0 s12  }
0x10: {  	s10 =	sadd.s32 $0x1, s10;
	s12 =	smov.u32 s11;
	s11 =	smov.u32 s13  }
.LBB2_1:
0x11: {  	p0 =	seq.s32 s10, $0x0  }
.Ltmp1:
0x12: {  	_ = 	snop;
	(pc) =	sbr.rel @p0 .LBB2_10-.Ltmp1, $1  }
0x13: {  	_ =	sdelay $0x3  }
0x14: {  	p0 =	seq.s32 s10, $0x1  }
.Ltmp2:
0x15: {  	_ = 	snop;
	(pc) =	sbr.rel @!p0 .LBB2_9-.Ltmp2, $1  }
0x16: {  	_ =	sdelay $0x3  }
0x17: {  	_ =	swait.ge [sflag:s5], $0x180  }
0x18: {  	[sflag:s5] =	ssyncset.done $0x0  }
0x19: {  	s13 =	simm.s32 $0x0;
	[sflag:s5] =	ssyncadd.s32 $0xFFFFFE80  }
0x1a: {  	v0 =	vld.msk [tilespmem:s13+$0x180 ss:$0x1], $0xffff;
	_ =	sdelay $0x4  }
0x1b: {  	v1 =	vand.u32 $0x7, v0;
	v2 =	vshll.u32 v0, $0x4  }
0x1c: {  	vm2 =	veq.s32 v0, $0x80000000;
	v0 =	vmul.u32 $0x3BC000, v1;
	v1 =	vand.u32 $0x3FFF80, v2  }
0x1d: {  	v1 =	vsel vm2, $0xFFFFFF80, v1  }
0x1e: {  	v0 =	vsel vm2, $0xFFC44000, v0;
	v2 =	vand.u32 $0xFFFFFC00, v1  }
0x1f: {  	v1 =	vand.u32 $0x380, v1;
	v0 =	vadd.s32 v0, v2  }
0x20: {  	v0 =	vor.u32 v1, v0  }
0x21: {  	v0 =	vshrl.u32 v0, $0x3;
	_ =	sdelay $0x3  }
0x22: {  	s13 =	simm.s32 $0xC300  }
0x23: {  	[tilespmem:s13], [sflag:$0x1] =	stream.indirect_vreg.gather [hbm:s6], $0x80, v0, vm0, $0x38;
	[tilespmem:$0x18300] =	vst v63  }
0x24: {  	s14 =	simm.s32 $0xC700;
	s31 =	simm.s32 $0x10  }
0x25: {  	[tilespmem:s14], [sflag:$0x1] =	stream.indirect_vreg.gather [hbm:s6], $0x80, v0, vm1, $0x38;
	[tilespmem:$0x18300] =	vst v63  }
0x26: {  	s14 =	simm.s32 $0x80;
	v0 =	vld.msk [tilespmem:s31+$0x180 ss:$0x1], $0xffff  }
.LBB2_4:
0x27: {  	p0 =	sne.s32 s14, $0x5C0;
	_ =	sdelay $0x4  }
0x28: {  	v1 =	vand.u32 $0x7, v0;
	v2 =	vshll.u32 v0, $0x4  }
0x29: {  	vm2 =	veq.s32 v0, $0x80000000;
	v0 =	vmul.u32 $0x3BC000, v1;
	v1 =	vand.u32 $0x3FFF80, v2  }
0x2a: {  	v1 =	vsel vm2, $0xFFFFFF80, v1  }
0x2b: {  	v0 =	vsel vm2, $0xFFC44000, v0;
	v2 =	vand.u32 $0xFFFFFC00, v1  }
0x2c: {  	v1 =	vand.u32 $0x380, v1;
	v0 =	vadd.s32 v0, v2  }
0x2d: {  	v0 =	vor.u32 v1, v0  }
0x2e: {  	v0 =	vshrl.u32 v0, $0x3;
	_ =	sdelay $0x3  }
.Ltmp3:
0x2f: {  	s13 =	sadd.s32 $0x800, s13;
	(pc) =	sbr.rel @p0 .LBB2_4-.Ltmp3, $4  }
0x30: {  	[tilespmem:s13], [sflag:$0x1] =	stream.indirect_vreg.gather [hbm:s6], $0x80, v0, vm0, $0x38;
	[tilespmem:$0x18300] =	vst v63  }
0x31: {  	s15 =	sshra.s32 s14, $0x2;
	s16 =	sadd.s32 $0x400, s13  }
0x32: {  	[tilespmem:s16], [sflag:$0x1] =	stream.indirect_vreg.gather [hbm:s6], $0x80, v0, vm1, $0x38;
	[tilespmem:$0x18300] =	vst v63  }
0x33: {  	s14 =	sadd.s32 $0x40, s14;
	v0 =	vld.msk [tilespmem:s15+$0x180 ss:$0x1], $0xffff  }
0x34: {  	_ =	sdelay $0x3  }
0x35: {  	v1 =	vand.u32 $0x7, v0;
	v2 =	vshll.u32 v0, $0x4  }
0x36: {  	vm2 =	veq.s32 v0, $0x80000000;
	v61 =	vmul.u32 $0x3BC000, v1;
	v62 =	vand.u32 $0x3FFF80, v2  }
0x37: {  	v1 =	vsel vm2, $0xFFFFFF80, v62  }
0x38: {  	v0 =	vsel vm2, $0xFFC44000, v61;
	v63 =	vand.u32 $0xFFFFFC00, v1  }
0x39: {  	v1 =	vand.u32 $0x380, v1;
	v0 =	vadd.s32 v0, v63  }
0x3a: {  	v0 =	vor.u32 v1, v0  }
0x3b: {  	v0 =	vshrl.u32 v0, $0x3;
	_ =	sdelay $0x3  }
0x3c: {  	s13 =	sadd.s32 $0x800, s13  }
0x3d: {  	[tilespmem:s13], [sflag:$0x1] =	stream.indirect_vreg.gather [hbm:s6], $0x80, v0, vm0, $0x38;
	[tilespmem:$0x18300] =	vst v63  }
0x3e: {  	s13 =	sadd.s32 $0x400, s13  }
0x3f: {  	[tilespmem:s13], [sflag:$0x1] =	stream.indirect_vreg.gather [hbm:s6], $0x80, v0, vm1, $0x38;
	[tilespmem:$0x18300] =	vst v63  }
0x40: {  	s12 =	sshll.u32 s12, $0x4;
	s14 =	simm.s32 $0x80;
	_ =	swait.ge [sflag:s3], $0xC000  }
0x41: {  	s15 =	simm.s32 $0xC700;
	s12 =	sadd.s32 s12, s7;
	[sflag:s3] =	ssyncset.done $0x0  }
0x42: {  	s16 =	sadd.s32 $0x0, s12;
	s13 =	simm.s32 $0xC300;
	[sflag:s3] =	ssyncadd.s32 $0xFFFF4000  }
.LBB2_6:
0x43: {  	[hbm:s16] =	stream.linear.scatter [tilespmem:s13], [sflag:$0x3], $0x400, $0x38;
	[tilespmem:$0x18300] =	vst v63  }
0x44: {  	s16 =	smov.u32 s14;
	s13 =	smov.u32 s15;
	p0 =	seq.s32 s14, $0x1780  }
.Ltmp4:
0x45: {  	s14 =	sadd.s32 $0x80, s14;
	(pc) =	sbr.rel @!p0 .LBB2_6-.Ltmp4, $2  }
0x46: {  	_ =	sdelay $0x2  }
0x47: {  	s15 =	sadd.s32 $0x400, s15;
	s16 =	sadd.s32 s16, s12  }
.Ltmp5:
0x48: {  	(pc) =	sbr.rel .LBB2_8-.Ltmp5, $2  }
0x49: {  	_ =	sdelay $0x2  }
0x4a: {  	[hbm:s16] =	stream.linear.scatter [tilespmem:s13], [sflag:$0x3], $0x400, $0x38;
	[tilespmem:$0x18300] =	vst v63  }
.LBB2_9:
0x4b: {  	s2 =	simm.s32 $0x3  }
0x4c: {  	_ =	swait.ge [sflag:s2], $0xC000  }
0x4d: {  	[sflag:s2] =	ssyncset.done $0x0  }
0x4e: {  	[sflag:s2] =	ssyncadd.s32 $0xFFFF4000  }
0x4f: {  	_ =	sfence.sel $0x180000  }
0x50: {  	s3 =	simm.s32 $0x2;
	[bflag:$0x0] =	sbarrier.arrive $0xFFFF  }
0x51: {  	[sflag:s3] =	ssyncpa.u1 $0x1  }
0x52: {  	s31 =	simm.s32 $0x1;
	[sflag:s2] =	ssyncpa.u1 $0x1  }
0x53: {  	[sflag:s31] =	ssyncpa.u1 $0x1  }
0x54: {  	p0 =	sne.s32 s1, $0x0;
	_ =	strace $0x9000004A  }
0x55: {  	s0 =	sadd.s32 @!p0 $0x100000, s0;
	[bflag:$0x2] =	sbarrier.arrive $0xFFFF  }
0x56: {  	[sflag:s0] =	ssyncadd.tile.s32 @!p0 $0x1;
	_ =	shalt  }
.Lfunc_end2:
_tile_overlayer_lowered:
.L_overlay_start_2:
0x57: {  	(tag) =	ssettag $0x2  }
0x58: {  	s0 =	rddreg [dreg:$0x0];
	s2 =	stileid.u32  }
0x59: {  	s1 =	rddreg [dreg:$0x1];
	p0 =	sne.s32 s2, $0x0  }
0x5a: {  	s3 =	rddreg [dreg:$0x2];
	[bflag:$0x3] =	sbarrier.arrive $0xFFFF;
	s2 =	simm.s32 @!p0 $0x1C01  }
0x5b: {  	[timem:s3], [sflag:s2] =	dma.local @!p0 [hbm:s0], s1  }
0x5c: {  	s0 =	simm.s32 @!p0 $0x1  }
0x5d: {  	_ =	swait.ge @!p0 [sflag:s0], s1  }
0x5e: {  	s1 =	ssub.s32 @!p0 $0x0, s1;
	[sflag:s0] =	ssyncset.done @!p0 $0x0  }
0x5f: {  	[sflag:s0] =	ssyncadd.s32 @!p0 s1  }
0x60: {  	[bflag:$0x3] =	sbarrier.arrive $0xFFFF  }
0x61: {  	_ =	shalt  }

// kernel: kernel.4.cloned.1.call-start
scs
__scs_entry_jumppad:
0x0: {  	(pc) =	sbr.rel $0x88, $3  }
0x1: {  	(tag) =	ssettag $0x0;
	lr =	simm.s32 $0x1  }
0x2: {  	[smem:$0x3F9E] =	sst lr;
	_ =	strace $0xD0000000  }
0x3: {  	_ = 	snop  }
0x4: {  	_ = 	snop  }
0x5: {  	_ = 	snop  }
0x6: {  	_ = 	snop  }
0x7: {  	_ = 	snop  }
__scs_overlays_trampoline_lowered:
0x8: {  	[smem:$0x3FAD] =	sst s0  }
0x9: {  	[smem:$0x3FAE] =	sst s1  }
0xa: {  	[smem:$0x3FAF] =	sst s2  }
0xb: {  	[smem:$0x3FB0] =	sst s3  }
0xc: {  	[smem:$0x3FB1] =	sst s4  }
0xd: {  	[smem:$0x3FB2] =	sst s5  }
0xe: {  	[smem:$0x3FB3] =	sst s6  }
0xf: {  	[smem:$0x3FB4] =	sst s7  }
0x10: {  	[smem:$0x3FB5] =	sst s8  }
0x11: {  	[smem:$0x3FB6] =	sst s9;
	s0 =	simm.s32 @!p0 $0x0  }
0x12: {  	s1 =	sld [smem:$0x3F9C];
	s0 =	simm.s32 @p0 $0x1  }
0x13: {  	[smem:$0x3FB7] =	sst s0;
	s0 =	simm.s32 @!p1 $0x0  }
0x14: {  	s2 =	sld [smem:$0x3F9B];
	s0 =	simm.s32 @p1 $0x1  }
0x15: {  	[smem:$0x3FB8] =	sst s0;
	s0 =	simm.s32 @!p2 $0x0  }
0x16: {  	s3 =	sld [smem:$0x3FDB];
	s0 =	simm.s32 @p2 $0x1  }
0x17: {  	s4 =	simm.s32 $0x1BF5;
	[smem:$0x3FBA] =	sst s0  }
0x18: {  	s0 =	sld [smem:$0x3F9D];
	_ =	swait.ge [sflag:s4], $0x0  }
0x19: {  	s7 =	sld [smem:$0x3F9E]  }
0x1a: {  	s8 =	sadd.s32 $0xFFFFE003, lr  }
0x1b: {  	s9 =	sadd.s32 $0xFFFFFEF7, lr;
	s5 =	simm.s32 $0xFFFFFFFF;
	p2 =	slt.u32 s8, $0xFFFFF086  }
0x1c: {  	p1 =	slt.u32 s9, $0xF7A;
	s5 =	simm.s32 @!p2 $0x0  }
0x1d: {  	s5 =	simm.s32 @p1 $0x1;
	p0 =	seq.s32 s7, s2  }
0x1e: {  	s7 =	smul.u32 @!p0 $0xF7A, s2;
	p2 =	seq.s32 @!p0 s5, $0x0  }
0x1f: {  	s9 =	smul.u32 $0xF7A, s1;
	s8 =	simm.s32 @!p0 $0x1BF5;
	p2 =	por !p2, p0  }
0x20: {  	[sflag:s8] =	ssyncset.s32 @!p0 $0xFFFFF086;
	s6 =	sadd.s32 @!p0 s3, s7;
	s7 =	simm.s32 @!p0 $0x108  }
0x21: {  	s3 =	sadd.s32 s3, s9;
	s6 =	sadd.s32 @!p0 $0x88, s6;
	s7 =	simm.s32 @p2 $0x1082  }
0x22: {  	[simem:s7], [sflag:s8] =	dma.local @!p0 [hbm:s6], $0xF7A  }
0x23: {  	s9 =	sor.u32 $0xD0000000, s2;
	s6 =	simm.s32 $0x108;
	_ =	swait.ge @!p0 [sflag:s8], $0x0  }
0x24: {  	s3 =	sadd.s32 $0x88, s3;
	s6 =	simm.s32 @!p1 $0x1082;
	[sflag:s4] =	ssyncset.s32 $0xFFFFF086  }
0x25: {  	[simem:s6], [sflag:s4] =	dma.local [hbm:s3], $0xF7A  }
0x26: {  	[smem:$0x3F9E] =	sst s1;
	(tag) =	ssettag s2;
	_ =	strace s9  }
0x27: {  	s1 =	sld [smem:$0x3FAE]  }
0x28: {  	s2 =	sld [smem:$0x3FAF]  }
0x29: {  	s4 =	sld [smem:$0x3FB1]  }
0x2a: {  	p0 =	seq.s32 s5, $0x0;
	s5 =	sld [smem:$0x3FB2]  }
0x2b: {  	s6 =	sld [smem:$0x3FB3]  }
0x2c: {  	s7 =	sld [smem:$0x3FB4]  }
0x2d: {  	s3 =	simm.s32 $0x108;
	s8 =	sld [smem:$0x3FB5]  }
0x2e: {  	s3 =	simm.s32 @!p0 $0x1082;
	s9 =	sld [smem:$0x3FB6]  }
0x2f: {  	lr =	sadd.s32 s0, s3;
	s0 =	sld [smem:$0x3FAD]  }
0x30: {  	s3 =	sld [smem:$0x3FB0]  }
0x31: {  	[smem:$0x3FB9] =	sst s10  }
0x32: {  	s10 =	sld [smem:$0x3FB7];
	_ =	sdelay $0x3  }
0x33: {  	p0 =	seq.s32 s10, $0x1;
	s10 =	sld [smem:$0x3FB9];
	_ =	sdelay $0x3  }
0x34: {  	[smem:$0x3FB9] =	sst s10  }
0x35: {  	s10 =	sld [smem:$0x3FB8];
	_ =	sdelay $0x3  }
0x36: {  	p1 =	seq.s32 s10, $0x1;
	s10 =	sld [smem:$0x3FB9];
	_ =	sdelay $0x3  }
0x37: {  	[smem:$0x3FB9] =	sst s10  }
0x38: {  	s10 =	sld [smem:$0x3FBA]  }
0x39: {  	_ = 	snop;
	(pc) =	sbr.ind lr, $3  }
0x3a: {  	_ = 	snop  }
0x3b: {  	_ = 	snop  }
0x3c: {  	p2 =	seq.s32 s10, $0x1;
	s10 =	sld [smem:$0x3FB9]  }
0x3d: {  	_ =	shalt  }
0x3e: {  	_ =	shalt  }
0x3f: {  	_ =	shalt  }
0x40: {  	_ =	shalt  }
0x41: {  	_ =	shalt  }
0x42: {  	_ =	shalt  }
0x43: {  	_ =	shalt  }
0x44: {  	_ =	shalt  }
0x45: {  	_ =	shalt  }
0x46: {  	_ =	shalt  }
0x47: {  	_ =	shalt  }
0x48: {  	_ =	shalt  }
0x49: {  	_ =	shalt  }
0x4a: {  	_ =	shalt  }
0x4b: {  	_ =	shalt  }
0x4c: {  	_ =	shalt  }
0x4d: {  	_ =	shalt  }
0x4e: {  	_ =	shalt  }
0x4f: {  	_ =	shalt  }
0x50: {  	_ =	shalt  }
0x51: {  	_ =	shalt  }
0x52: {  	_ =	shalt  }
0x53: {  	_ =	shalt  }
0x54: {  	_ =	shalt  }
0x55: {  	_ =	shalt  }
0x56: {  	_ =	shalt  }
0x57: {  	_ =	shalt  }
0x58: {  	_ =	shalt  }
0x59: {  	_ =	shalt  }
0x5a: {  	_ =	shalt  }
0x5b: {  	_ =	shalt  }
0x5c: {  	_ =	shalt  }
0x5d: {  	_ =	shalt  }
0x5e: {  	_ =	shalt  }
0x5f: {  	_ =	shalt  }
0x60: {  	_ =	shalt  }
0x61: {  	_ =	shalt  }
0x62: {  	_ =	shalt  }
0x63: {  	_ =	shalt  }
0x64: {  	_ =	shalt  }
0x65: {  	_ =	shalt  }
0x66: {  	_ =	shalt  }
0x67: {  	_ =	shalt  }
0x68: {  	_ =	shalt  }
0x69: {  	_ =	shalt  }
0x6a: {  	_ =	shalt  }
0x6b: {  	_ =	shalt  }
0x6c: {  	_ =	shalt  }
0x6d: {  	_ =	shalt  }
0x6e: {  	_ =	shalt  }
0x6f: {  	_ =	shalt  }
0x70: {  	_ =	shalt  }
0x71: {  	_ =	shalt  }
0x72: {  	_ =	shalt  }
0x73: {  	_ =	shalt  }
0x74: {  	_ =	shalt  }
0x75: {  	_ =	shalt  }
0x76: {  	_ =	shalt  }
0x77: {  	_ =	shalt  }
0x78: {  	_ =	shalt  }
0x79: {  	_ =	shalt  }
0x7a: {  	_ =	shalt  }
0x7b: {  	_ =	shalt  }
0x7c: {  	_ =	shalt  }
0x7d: {  	_ =	shalt  }
0x7e: {  	_ =	shalt  }
0x7f: {  	_ =	shalt  }
0x80: {  	_ =	shalt  }
0x81: {  	_ =	shalt  }
0x82: {  	_ =	shalt  }
0x83: {  	_ =	shalt  }
0x84: {  	_ =	shalt  }
0x85: {  	_ =	shalt  }
0x86: {  	_ =	shalt  }
0x87: {  	_ =	shalt  }
.Lfunc_end0:
.L_simem_size_0:
called_computation.1_lowered:
.L_overlay_start_0:
0x88: {  	s2 =	sld [smem:$0x3FD9]  }
0x89: {  	s3 =	sld [smem:$0x3FFE];
	_ =	sdelay $0x1  }
0x8a: {  	s1 =	srdreg.scid  }
0x8b: {  	s0 =	sand.u32 $0x1, s1  }
0x8c: {  	s16 =	sshll.u32 s0, $0xA;
	s2 =	sadd.s32 s3, s2  }
0x8d: {  	s2 =	sadd.s32 s2, s16  }
0x8e: {  	[smem:$0x3FC5] =	sst s2  }
0x8f: {  	_ = 	snop  }
0x90: {  	(tm) =	ssettm $0x1  }
0x91: {  	s17 =	sld [smem:$0x3FFB];
	_ =	sdelay $0x3  }
0x92: {  	_ =	strace s17  }
0x93: {  	s2 =	sld [smem:$0x3FFC];
	_ =	sdelay $0x3  }
0x94: {  	_ =	strace s2  }
0x95: {  	s2 =	sld [smem:$0x3FFD];
	_ =	sdelay $0x3  }
0x96: {  	_ =	strace s2  }
0x97: {  	_ =	strace $0x8FFFFFFF  }
0x98: {  	s18 =	sld [smem:$0x3FDB];
	_ =	sdelay $0x1  }
0x99: {  	s19 =	simm.s32 $_scs_section_size  }
0x9a: {  	s4 =	simm.s32 $_size__tile_overlayer_lowered;
	s5 =	simm.s32 $_tile_overlayer_lowered  }
0x9b: {  	s22 =	simm.s32 $0x1BFF;
	s21 =	sshll.u32 s5, $0x1;
	s2 =	sadd.s32 s19, s18  }
0x9c: {  	s6 =	simm.s32 $0x0;
	s20 =	sshll.u32 s4, $0x1;
	s4 =	sadd.s32 s21, s2  }
0x9d: {  	[timem:s6], [sflag:s22] =	dma.local [hbm:s4], s20  }
0x9e: {  	_ =	swait.ge [sflag:s22], s20  }
0x9f: {  	s3 =	ssub.s32 $0x0, s20;
	[sflag:s22] =	ssyncset.done $0x0  }
0xa0: {  	[sflag:s22] =	ssyncadd.s32 s3;
	_ =	sdelay $0x1  }
0xa1: {  	s23 =	simm.s32 $0x1B8B  }
0xa2: {  	_ =	swait.ge [sflag:s23], $0x1  }
0xa3: {  	[sflag:s23] =	ssyncset.done $0x0  }
0xa4: {  	s25 =	simm.s32 $0x1B8E;
	s24 =	sld [smem:$0x3FFE];
	[sflag:s23] =	ssyncadd.s32 $0xFFFFFFFF  }
0xa5: {  	s26 =	simm.s32 $execute0_lowered;
	[smem:$0x3FD2] =	sst s25  }
0xa6: {  	s4 =	sshll.u32 s26, $0x1;
	_ =	strace $0x80000046;
	[dreg:$0x1] =	wrdreg $0xFFFFFFFF  }
0xa7: {  	s28 =	simm.s32 $_size_execute0_lowered;
	s2 =	sadd.s32 s2, s4;
	[dreg:$0x0] =	wrdreg $0x0  }
0xa8: {  	s4 =	sshll.u32 s28, $0x1;
	[dreg:$0x2] =	wrdreg s2  }
0xa9: {  	[dreg:$0x3] =	wrdreg s4  }
0xaa: {  	[dreg:$0x4] =	wrdreg $0xC0  }
0xab: {  	_ =	task [dreg:s6], $0x5FFFF  }
0xac: {  	[dreg:$0x1] =	wrdreg $0xFFFFFFFF  }
0xad: {  	[dreg:$0x0] =	wrdreg $0x60  }
0xae: {  	[dreg:$0x2] =	wrdreg s24  }
0xaf: {  	[dreg:$0x3] =	wrdreg $0x9  }
0xb0: {  	_ =	task.clear_ibuf [dreg:s6], $0x4FFFF;
	_ =	strace $0x90000046  }
0xb1: {  	s29 =	simm.s32 $0x9;
	_ =	strace $0x80000048  }
0xb2: {  	_ =	swait.ge [sflag:s29], $0x1  }
0xb3: {  	[sflag:s29] =	ssyncadd.s32 $0xFFFFFFFF  }
0xb4: {  	_ =	strace $0x90000048  }
0xb5: {  	_ =	sfence  }
0xb6: {  	s30 =	sld [smem:$0x0];
	_ =	sdelay $0x2  }
0xb7: {  	s31 =	sshll.u32 s1, $0xD;
	s1 =	sshrl.u32 s1, $0x2  }
0xb8: {  	s3 =	sand.u32 $0x4000, s31;
	s1 =	sadd.s32 s1, s30  }
0xb9: {  	s0 =	sor.u32 s3, s0;
	s1 =	sshll.u32 s1, $0x11  }
0xba: {  	s0 =	sor.u32 s1, s0  }
0xbb: {  	s0 =	sadd.s32 $0x8F2B, s0  }
0xbc: {  	[sflag:s0] =	ssyncadd.remote.s32 $0x1  }
0xbd: {  	_ =	sfence.sel $0xFFFF  }
0xbe: {  	[dreg:$0x0] =	wrdreg $0xFFFFFFFF;
	(pc) =	sbr.abs _section_cstart, $3  }
0xbf: {  	[dreg:$0x1] =	wrdreg $0xFFFFFFFF  }
0xc0: {  	_ =	task.clear_ibuf [dreg:s6], $0x2FFFF;
	_ =	strace $0x9FFFFFFF  }
0xc1: {  	(tm) =	ssettm $0x7FFFFFFF  }
tec
execute0_lowered:
.L_overlay_start_1:
0x0: {  	(tag) =	ssettag $0x1  }
0x1: {  	s1 =	stileid.u32  }
0x2: {  	p0 =	sgt.u32 s1, $0x3  }
.Ltmp0:
0x3: {  	_ = 	snop;
	(pc) =	sbr.rel @p0 .LBB2_7-.Ltmp0, $4  }
0x4: {  	_ = 	snop  }
0x5: {  	s3 =	rddreg [dreg:$0x0];
	s2 =	simm.s32 $0x0  }
0x6: {  	[smem:$0x7FF] =	sst s2  }
0x7: {  	s0 =	rddreg [dreg:$0x1];
	_ =	strace $0x80000047  }
0x8: {  	s4 =	srdreg.scid  }
0x9: {  	s5 =	sshll.u32 s1, $0x5;
	s8 =	sadd.s32 $0x1A00, s3;
	s4 =	sand.u32 $0x1, s4  }
0xa: {  	s10 =	simm.s32 $0x7780;
	s6 =	sshll.u32 s4, $0x4;
	s7 =	ssub.s32 $0x2, s4  }
0xb: {  	s11 =	simm.s32 $0x7D80;
	s5 =	sor.u32 s6, s5;
	s9 =	sshrl.u32 s7, $0x1  }
0xc: {  	s6 =	sadd.s32 s5, s3;
	s31 =	ssub.s32 s7, s9;
	s5 =	sadd.s32 s8, s5  }
0xd: {  	v0 =	vimm.f32 $0.0e+00;
	s7 =	simm.s32 $0x80;
	s8 =	simm.s32 $0x400;
	s9 =	simm.s32 $0x1  }
0xe: {  	v1 =	vimm.s32 $0x777F;
	v2 =	vimm.s32 $0x0;
	v3 =	vlaneseq.u32;
	s3 =	sadd.s32 $0x9800, s6;
	s4 =	sadd.s32 $0x9200, s6;
	s6 =	smax.u32 s31, $0x1  }
.LBB2_2:
0xf: {  	s12 =	simm.s32 $0x0  }
0x10: {  	[tilespmem:s12], [sflag:$0x1] =	stream.strided.gather [hbm4b:s5+s7], $0x7780, s8, s7, $0x38;
	[tilespmem:$0x8380] =	vst v63  }
0x11: {  	_ =	swait.ge [sflag:s9], $0x7780  }
0x12: {  	[sflag:s9] =	ssyncset.done $0x0  }
0x13: {  	s13 =	simm.s32 $0x40;
	s14 =	simm.s32 $0x0;
	[sflag:s9] =	ssyncadd.s32 $0xFFFF8880  }
.LBB2_3:
0x14: {  	p0 =	sne.s32 s13, $0x17C0;
	[tilespmem:s14+$0x7780] =	vst v0;
	s15 =	smov.u32 s13;
	s13 =	sadd.s32 $0x40, s13  }
.Ltmp1:
0x15: {  	[tilespmem:s14+$0x7D80] =	vst v1;
	(pc) =	sbr.rel @p0 .LBB2_3-.Ltmp1, $2  }
0x16: {  	_ =	sdelay $0x2  }
0x17: {  	s14 =	sshra.s32 s15, $0x2  }
0x18: {  	[tilespmem:s14+$0x7780] =	vst v0  }
0x19: {  	[tilespmem:s14+$0x7D80] =	vst v1  }
0x1a: {  	v4 =	vld [tilespmem:s12+$0x0];
	_ =	sdelay $0x4  }
0x1b: {  	vm0 =	vgt.f32 v4, $-5.000000000e-01  }
0x1c: {  	v5 =	vsel vm0, $0x1, v2  }
0x1d: {  	(xrf0) =	vadd.scan.msk.s32 $0xffff, v5;
	_ =	sdelay $0x2  }
0x1e: {  	v5 =	vmov s12  }
0x1f: {  	v5 =	vadd.s32 $0xFFFFFFFF, v5  }
0x20: {  	v5 =	vbroadcast v5, $0x0  }
0x21: {  	v6, _, _ =	vpop (xrf0)  }
0x22: {  	v5 =	vadd.s32 v6, v5;
	(v2sf) =	vpush v6, $0xF;
	_ =	sdelay $0x4  }
0x23: {  	[tilespmem:v5+s10+$0x0] =	vst.idx.msk vm0, v4;
	v4 =	vor.u32 s12, v3  }
0x24: {  	s13 =	simm.s32 $0x10;
	[tilespmem:v5+s11+$0x0] =	vst.idx.msk vm0, v4  }
0x25: {  	s14 =	simm.s32 $0x20;
	s15 =	simm.s32 $0x10;
	v4 =	vld [tilespmem:s13+$0x0]  }
.LBB2_5:
0x26: {  	p0 =	sne.s32 s14, $0x7770;
	_ =	sdelay $0x3  }
0x27: {  	vm0 =	vgt.f32 v4, $-5.000000000e-01  }
0x28: {  	v5 =	vsel vm0, $0x1, v2  }
0x29: {  	(xrf0) =	vadd.scan.msk.s32 $0xffff, v5  }
0x2a: {  	s16 =	spop (v2sf)  }
0x2b: {  	s12 =	sadd.s32 s12, s16  }
0x2c: {  	v5 =	vmov s12  }
0x2d: {  	v5 =	vadd.s32 $0xFFFFFFFF, v5  }
0x2e: {  	v5 =	vbroadcast v5, $0x0  }
0x2f: {  	v6, _, _ =	vpop (xrf0)  }
0x30: {  	v5 =	vadd.s32 v6, v5;
	(v2sf) =	vpush v6, $0xF;
	_ =	sdelay $0x2  }
.Ltmp2:
0x31: {  	(pc) =	sbr.rel @p0 .LBB2_5-.Ltmp2, $4  }
0x32: {  	_ = 	snop  }
0x33: {  	v6 =	vor.u32 s13, v3;
	s13 =	smov.u32 s14;
	[tilespmem:v5+s10+$0x0] =	vst.idx.msk vm0, v4  }
0x34: {  	s15 =	sadd.s32 $0x10, s15;
	[tilespmem:v5+s11+$0x0] =	vst.idx.msk vm0, v6  }
0x35: {  	s14 =	sadd.s32 $0x10, s14;
	v4 =	vld [tilespmem:s15+$0x0]  }
0x36: {  	_ =	sdelay $0x3  }
0x37: {  	vm0 =	vgt.f32 v4, $-5.000000000e-01  }
0x38: {  	v5 =	vsel vm0, $0x1, v2  }
0x39: {  	(xrf0) =	vadd.scan.msk.s32 $0xffff, v5;
	_ =	sdelay $0x5  }
0x3a: {  	v5, _, _ =	vpop (xrf0)  }
0x3b: {  	(v2sf) =	vpush v5, $0xF  }
0x3c: {  	s14 =	spop (v2sf)  }
0x3d: {  	s12 =	sadd.s32 s12, s14  }
0x3e: {  	v6 =	vmov s12  }
0x3f: {  	v6 =	vadd.s32 $0xFFFFFFFF, v6  }
0x40: {  	v6 =	vbroadcast v6, $0x0;
	_ =	sdelay $0x1  }
0x41: {  	v5 =	vadd.s32 v5, v6;
	_ =	sdelay $0x4  }
0x42: {  	v63 =	vor.u32 s13, v3;
	[tilespmem:v5+s10+$0x0] =	vst.idx.msk vm0, v4  }
0x43: {  	[tilespmem:v5+s11+$0x0] =	vst.idx.msk vm0, v63  }
0x44: {  	[hbm4b:s3+s7] =	stream.strided.scatter [tilespmem:s10], [sflag:$0x1], $0x600, s8, s7, $0x38;
	[tilespmem:$0x8380] =	vst v63  }
0x45: {  	s31 =	spop (v2sf)  }
0x46: {  	s2 =	sadd.s32 $0x1, s2;
	_ =	swait.ge [sflag:s9], $0x600  }
0x47: {  	p0 =	sne.s32 s2, s6;
	[sflag:s9] =	ssyncset.done $0x0  }
.Ltmp3:
0x48: {  	[sflag:s9] =	ssyncadd.s32 $0xFFFFFA00;
	(pc) =	sbr.rel @p0 .LBB2_2-.Ltmp3, $4  }
0x49: {  	[hbm4b:s4+s7] =	stream.strided.scatter [tilespmem:s11], [sflag:$0x1], $0x600, s8, s7, $0x38;
	[tilespmem:$0x8380] =	vst v63  }
0x4a: {  	_ =	swait.ge [sflag:s9], $0x600  }
0x4b: {  	[sflag:s9] =	ssyncset.done $0x0  }
0x4c: {  	[sflag:s9] =	ssyncadd.s32 $0xFFFFFA00  }
.LBB2_7:
0x4d: {  	_ =	sfence.sel $0x180000  }
0x4e: {  	[bflag:$0x0] =	sbarrier.arrive $0xFFFF  }
0x4f: {  	p0 =	sne.s32 s1, $0x0;
	_ =	strace $0x90000047  }
0x50: {  	s0 =	sadd.s32 @!p0 $0x100000, s0;
	[bflag:$0x2] =	sbarrier.arrive $0xFFFF  }
0x51: {  	[sflag:s0] =	ssyncadd.tile.s32 @!p0 $0x1;
	_ =	shalt  }
.Lfunc_end2:
_tile_overlayer_lowered:
.L_overlay_start_2:
0x52: {  	(tag) =	ssettag $0x2  }
0x53: {  	s0 =	rddreg [dreg:$0x0];
	s2 =	stileid.u32  }
0x54: {  	s1 =	rddreg [dreg:$0x1];
	p0 =	sne.s32 s2, $0x0  }
0x55: {  	s3 =	rddreg [dreg:$0x2];
	[bflag:$0x3] =	sbarrier.arrive $0xFFFF;
	s2 =	simm.s32 @!p0 $0x1C01  }
0x56: {  	[timem:s3], [sflag:s2] =	dma.local @!p0 [hbm:s0], s1  }
0x57: {  	s0 =	simm.s32 @!p0 $0x1  }
0x58: {  	_ =	swait.ge @!p0 [sflag:s0], s1  }
0x59: {  	s1 =	ssub.s32 @!p0 $0x0, s1;
	[sflag:s0] =	ssyncset.done @!p0 $0x0  }
0x5a: {  	[sflag:s0] =	ssyncadd.s32 @!p0 s1  }
0x5b: {  	[bflag:$0x3] =	sbarrier.arrive $0xFFFF  }
0x5c: {  	_ =	shalt  }

</sc_bundles>
